<compile_context>
chip_gen: v7x
topology: tpu7x:2x2x1
jax: 0.10.2.dev20260603
libtpu: 0.0.44.dev20260713+nightly
codegen_flags: <defaults>
</compile_context>

<pallas_src>
import functools

import jax
import jax.numpy as jnp
from jax import lax
from jax.experimental import pallas as pl
from jax.experimental.pallas import tpu as pltpu
from jax.experimental.pallas import tpu_sc as plsc

_VOCAB = 1000000
_EMBED = 64
_B = 16384
_L = 50
_N = _B * _L

_NC = 2
_NS = 16
_NW = _NC * _NS
_KC = 128
_PER_W = _N // _NW
_NCHUNK = _PER_W // _KC


_NPAIR = _NCHUNK // 2
_NBUF = 5
_PROWS_W = _PER_W // 2


def _gather_body(emb_hbm, idx_hbm, out_hbm, idx_v, bufs, gls, grs):
    wid = lax.axis_index("s") * _NC + lax.axis_index("c")
    pbase = wid * _PROWS_W
    pltpu.sync_copy(idx_hbm.at[wid], idx_v)

    def _glo(t, buf, sem):
        return pltpu.make_async_copy(
            emb_hbm.at[idx_v.at[2 * t]], buf.at[0], sem)

    def _ghi(t, buf, sem):
        return pltpu.make_async_copy(
            emb_hbm.at[idx_v.at[2 * t + 1]], buf.at[1], sem)

    def _wlo(buf, sem, t):
        return pltpu.make_async_copy(
            buf.at[0], out_hbm.at[pl.ds(pbase + t * _KC, _KC), 0:_EMBED], sem)

    def _whi(buf, sem, t):
        return pltpu.make_async_copy(
            buf.at[1], out_hbm.at[pl.ds(pbase + t * _KC, _KC), _EMBED:128], sem)

    for i in range(_NBUF):
        _glo(i, bufs[i], gls[i]).start()
        _ghi(i, bufs[i], grs[i]).start()

    def body(g, carry):
        t0 = _NBUF * g
        for i in range(_NBUF):
            t = t0 + i
            _glo(t, bufs[i], gls[i]).wait()
            _wlo(bufs[i], gls[i], t).start()
            _ghi(t, bufs[i], grs[i]).wait()
            _whi(bufs[i], grs[i], t).start()

        @pl.when(t0 + _NBUF < _NPAIR)
        def _():
            for i in range(_NBUF):
                t = t0 + i
                _wlo(bufs[i], gls[i], t).wait()
                _glo(t + _NBUF, bufs[i], gls[i]).start()
                _whi(bufs[i], grs[i], t).wait()
                _ghi(t + _NBUF, bufs[i], grs[i]).start()

        return carry

    lax.fori_loop(0, _NPAIR // _NBUF, body, 0)
    for i in range(_NBUF):
        t = _NPAIR - _NBUF + i
        _wlo(bufs[i], gls[i], t).wait()
        _whi(bufs[i], grs[i], t).wait()


def _gather_entry(emb_hbm, idx_hbm, out_hbm, idx_v, *sems):
    bufs = sems[:_NBUF]
    gls = sems[_NBUF:2 * _NBUF]
    grs = sems[2 * _NBUF:]
    _gather_body(emb_hbm, idx_hbm, out_hbm, idx_v, bufs, gls, grs)


_gather = functools.partial(
    pl.kernel,
    out_type=jax.ShapeDtypeStruct((_N // 2, 128), jnp.float32),
    mesh=plsc.VectorSubcoreMesh(core_axis_name="c", subcore_axis_name="s"),
    scratch_types=(
        [pltpu.VMEM((_NCHUNK, _KC), jnp.int32)]
        + [pltpu.VMEM((2, _KC, _EMBED), jnp.float32)] * _NBUF
        + [pltpu.SemaphoreType.DMA] * (2 * _NBUF)
    ),
    compiler_params=pltpu.CompilerParams(use_tc_tiling_on_sc=False),
)(_gather_entry)


_HB = _B // 2


def _linear_body(h_ref, w_ref, b_ref, o_ref):
    h = h_ref[...]
    w = w_ref[...]
    bb = b_ref[...]
    nt = (((1,), (1,)), ((), ()))
    lo = lax.dot_general(w, h[:, :_EMBED], nt,
                         preferred_element_type=jnp.float32)
    hi = lax.dot_general(w, h[:, _EMBED:], nt,
                         preferred_element_type=jnp.float32)
    o_ref[0, :, :_HB] = lo + bb
    o_ref[0, :, _HB:] = hi + bb


def _linear(hp, w, b1):
    return pl.pallas_call(
        _linear_body,
        grid=(_L,),
        in_specs=[
            pl.BlockSpec((_HB, 128), lambda i: (i, 0)),
            pl.BlockSpec((_EMBED, _EMBED), lambda i: (0, 0)),
            pl.BlockSpec((_EMBED, 1), lambda i: (0, 0)),
        ],
        out_specs=pl.BlockSpec((1, _EMBED, _B), lambda i: (i, 0, 0)),
        out_shape=jax.ShapeDtypeStruct((_L, _EMBED, _B), jnp.float32),
    )(hp, w, b1)


def kernel(x, emb, W, b):
    xi = jnp.transpose(
        x.astype(jnp.int32).T.reshape(_L, 2, _HB // _KC, _KC), (0, 2, 1, 3)
    ).reshape(-1)
    idx = xi.reshape(_NW, _NCHUNK, _KC)
    hp = _gather(emb, idx)
    ot = _linear(hp, W, b.reshape(_EMBED, 1))
    return jnp.transpose(ot, (2, 0, 1))

# --- scband reference (transcript-rebuilt; emitter-appended) ---
"""Pipeline reference for scband-word2-vec-64905545777623 (READ-ONLY COPY).

The authoritative reference and input builder live on the scoring server;
editing this copy changes nothing except your own understanding.
"""

import jax, jax.numpy as jnp
import numpy as np

VOCAB = 1000000
EMBED = 64
B = 16384
L = 50

def setup_inputs(seed: int = 0) -> dict:
    key = jax.random.key(seed)
    k1, k2, k3, k4 = jax.random.split(key, 4)
    x = jax.random.randint(k1, (B, L), 0, VOCAB, dtype=jnp.int64 if jax.config.jax_enable_x64 else jnp.int32)
    emb = jax.random.normal(k2, (VOCAB, EMBED), dtype=jnp.float32) * 0.02
    W = jax.random.normal(k3, (EMBED, EMBED), dtype=jnp.float32) * 0.02
    b = jnp.zeros((EMBED,), dtype=jnp.float32)
    return {"x": x, "emb": emb, "W": W, "b": b}

def reference(x, emb, W, b):
    # embedding lookup
    h = jnp.take(emb, x, axis=0)          # [B, L, EMBED]
    # linear: y = h @ W.T + b (torch nn.Linear convention)
    out = jnp.einsum('bld,ed->ble', h, W) + b
    return out

if __name__ == "__main__":
    import jax
    _d = setup_inputs()
    print(jax.jit(kernel)(*tuple(_d.values())))

</pallas_src>

<mosaic_0001>
#map = affine_map<(d0, d1) -> (0, 0)>
#map1 = affine_map<(d0, d1) -> (0, 0, 0)>
module attributes {stable_mosaic.version = 14 : i64} {
  func.func @_gather_entry(%arg0: i32, %arg1: i32, %arg2: memref<1000000x64xf32, #tpu.memory_space<hbm>>, %arg3: memref<32x200x128xi32, #tpu.memory_space<hbm>>, %arg4: memref<409600x128xf32, #tpu.memory_space<hbm>>, %arg5: memref<200x128xi32, #tpu.memory_space<vmem>>, %arg6: memref<2x128x64xf32, #tpu.memory_space<vmem>>, %arg7: memref<2x128x64xf32, #tpu.memory_space<vmem>>, %arg8: memref<2x128x64xf32, #tpu.memory_space<vmem>>, %arg9: memref<2x128x64xf32, #tpu.memory_space<vmem>>, %arg10: memref<2x128x64xf32, #tpu.memory_space<vmem>>, %arg11: memref<!tpu.dma_semaphore, #tpu.memory_space<semaphore_mem>>, %arg12: memref<!tpu.dma_semaphore, #tpu.memory_space<semaphore_mem>>, %arg13: memref<!tpu.dma_semaphore, #tpu.memory_space<semaphore_mem>>, %arg14: memref<!tpu.dma_semaphore, #tpu.memory_space<semaphore_mem>>, %arg15: memref<!tpu.dma_semaphore, #tpu.memory_space<semaphore_mem>>, %arg16: memref<!tpu.dma_semaphore, #tpu.memory_space<semaphore_mem>>, %arg17: memref<!tpu.dma_semaphore, #tpu.memory_space<semaphore_mem>>, %arg18: memref<!tpu.dma_semaphore, #tpu.memory_space<semaphore_mem>>, %arg19: memref<!tpu.dma_semaphore, #tpu.memory_space<semaphore_mem>>, %arg20: memref<!tpu.dma_semaphore, #tpu.memory_space<semaphore_mem>>) attributes {dimension_semantics = [#tpu.dimension_semantics<core_parallel>, #tpu.dimension_semantics<subcore_parallel>], iteration_bounds = array<i64: 2, 16>, scalar_prefetch = 0 : i64, scratch_operands = 16 : i64, tpu.core_type = #tpu.core_type<sc_vector_subcore>, window_params = [{transform_indices = #map}, {transform_indices = #map1}, {transform_indices = #map}]} {
    %mul3A = arith.constant 2 : i32
    %mul3A_0 = arith.muli %arg1, %mul3A : i32
    %add3A = arith.addi %mul3A_0, %arg0 : i32
    %mul3A_1 = arith.constant 12800 : i32
    %mul3A_2 = arith.muli %add3A, %mul3A_1 : i32
    "tpu.region"() ({
      %run_scoped3A = tpu.sem_alloc : memref<!tpu.dma_semaphore, #tpu.memory_space<semaphore_mem>>
      %dma_start3A_276 = arith.constant 0 : i32
      %dma_start3A_277 = arith.constant 0 : i32
      %dma_start3A_278 = tpu.memref_slice %arg3[%add3A, %dma_start3A_276, %dma_start3A_277] : memref<32x200x128xi32, #tpu.memory_space<hbm>> -> memref<1x200x128xi32, #tpu.memory_space<hbm>>
      %dma_start3A_279 = tpu.memref_squeeze %dma_start3A_278 : memref<1x200x128xi32, #tpu.memory_space<hbm>> -> memref<200x128xi32, #tpu.memory_space<hbm>>
      %dma_start3A_280 = arith.constant 0 : i32
      %dma_start3A_281 = arith.constant 0 : i32
      %dma_start3A_282 = tpu.memref_slice %arg3[%add3A, %dma_start3A_280, %dma_start3A_281] : memref<32x200x128xi32, #tpu.memory_space<hbm>> -> memref<1x200x128xi32, #tpu.memory_space<hbm>>
      %dma_start3A_283 = tpu.memref_squeeze %dma_start3A_282 : memref<1x200x128xi32, #tpu.memory_space<hbm>> -> memref<200x128xi32, #tpu.memory_space<hbm>>
      tpu.enqueue_dma source(%dma_start3A_283 : memref<200x128xi32, #tpu.memory_space<hbm>>) target(%arg5 : memref<200x128xi32, #tpu.memory_space<vmem>>) target_semaphore(%run_scoped3A : memref<!tpu.dma_semaphore, #tpu.memory_space<semaphore_mem>>)
      %dma_wait3A_284 = arith.constant 0 : i32
      %dma_wait3A_285 = arith.constant 0 : i32
      %dma_wait3A_286 = tpu.memref_slice %arg3[%add3A, %dma_wait3A_284, %dma_wait3A_285] : memref<32x200x128xi32, #tpu.memory_space<hbm>> -> memref<1x200x128xi32, #tpu.memory_space<hbm>>
      %dma_wait3A_287 = tpu.memref_squeeze %dma_wait3A_286 : memref<1x200x128xi32, #tpu.memory_space<hbm>> -> memref<200x128xi32, #tpu.memory_space<hbm>>
      %dma_wait3A_288 = arith.constant 0 : i32
      %dma_wait3A_289 = arith.constant 0 : i32
      %dma_wait3A_290 = tpu.memref_slice %arg3[%add3A, %dma_wait3A_288, %dma_wait3A_289] : memref<32x200x128xi32, #tpu.memory_space<hbm>> -> memref<1x200x128xi32, #tpu.memory_space<hbm>>
      %dma_wait3A_291 = tpu.memref_squeeze %dma_wait3A_290 : memref<1x200x128xi32, #tpu.memory_space<hbm>> -> memref<200x128xi32, #tpu.memory_space<hbm>>
      tpu.wait_dma2 semaphore(%run_scoped3A : memref<!tpu.dma_semaphore, #tpu.memory_space<semaphore_mem>>) src(%dma_wait3A_291 : memref<200x128xi32, #tpu.memory_space<hbm>>) dst(%arg5 : memref<200x128xi32, #tpu.memory_space<vmem>>)
      tpu.yield
    }) : () -> ()
    %dma_start3A = arith.constant 0 : i32
    %dma_start3A_3 = arith.constant 0 : i32
    %dma_start3A_4 = arith.constant 0 : i32
    %dma_start3A_5 = arith.constant 0 : i32
    %dma_start3A_6 = tpu.memref_slice %arg6[%dma_start3A_3, %dma_start3A_4, %dma_start3A_5] : memref<2x128x64xf32, #tpu.memory_space<vmem>> -> memref<1x128x64xf32, #tpu.memory_space<vmem>>
    %dma_start3A_7 = tpu.memref_squeeze %dma_start3A_6 : memref<1x128x64xf32, #tpu.memory_space<vmem>> -> memref<128x64xf32, #tpu.memory_space<vmem>>
    %dma_start3A_8 = arith.constant 0 : i32
    %dma_start3A_9 = tpu.memref_slice %arg5[%dma_start3A, %dma_start3A_8] : memref<200x128xi32, #tpu.memory_space<vmem>> -> memref<1x128xi32, #tpu.memory_space<vmem>>
    %dma_start3A_10 = tpu.memref_squeeze %dma_start3A_9 : memref<1x128xi32, #tpu.memory_space<vmem>> -> memref<128xi32, #tpu.memory_space<vmem>>
    %dma_start3A_11 = arith.constant 0 : i32
    %dma_start3A_12 = arith.constant 0 : i32
    %dma_start3A_13 = tpu.memref_slice %arg2[%dma_start3A_11, %dma_start3A_12] : memref<1000000x64xf32, #tpu.memory_space<hbm>> -> memref<1000000x64xf32, #tpu.memory_space<hbm>>
    tpu.enqueue_indirect_dma source(%dma_start3A_13 : memref<1000000x64xf32, #tpu.memory_space<hbm>>) target(%dma_start3A_7 : memref<128x64xf32, #tpu.memory_space<vmem>>) offsets(%dma_start3A_10 : memref<128xi32, #tpu.memory_space<vmem>>) semaphore(%arg11 : memref<!tpu.dma_semaphore, #tpu.memory_space<semaphore_mem>>)
    %dma_start3A_14 = arith.constant 1 : i32
    %dma_start3A_15 = arith.constant 1 : i32
    %dma_start3A_16 = arith.constant 0 : i32
    %dma_start3A_17 = arith.constant 0 : i32
    %dma_start3A_18 = tpu.memref_slice %arg6[%dma_start3A_15, %dma_start3A_16, %dma_start3A_17] : memref<2x128x64xf32, #tpu.memory_space<vmem>> -> memref<1x128x64xf32, #tpu.memory_space<vmem>>
    %dma_start3A_19 = tpu.memref_squeeze %dma_start3A_18 : memref<1x128x64xf32, #tpu.memory_space<vmem>> -> memref<128x64xf32, #tpu.memory_space<vmem>>
    %dma_start3A_20 = arith.constant 0 : i32
    %dma_start3A_21 = tpu.memref_slice %arg5[%dma_start3A_14, %dma_start3A_20] : memref<200x128xi32, #tpu.memory_space<vmem>> -> memref<1x128xi32, #tpu.memory_space<vmem>>
    %dma_start3A_22 = tpu.memref_squeeze %dma_start3A_21 : memref<1x128xi32, #tpu.memory_space<vmem>> -> memref<128xi32, #tpu.memory_space<vmem>>
    %dma_start3A_23 = arith.constant 0 : i32
    %dma_start3A_24 = arith.constant 0 : i32
    %dma_start3A_25 = tpu.memref_slice %arg2[%dma_start3A_23, %dma_start3A_24] : memref<1000000x64xf32, #tpu.memory_space<hbm>> -> memref<1000000x64xf32, #tpu.memory_space<hbm>>
    tpu.enqueue_indirect_dma source(%dma_start3A_25 : memref<1000000x64xf32, #tpu.memory_space<hbm>>) target(%dma_start3A_19 : memref<128x64xf32, #tpu.memory_space<vmem>>) offsets(%dma_start3A_22 : memref<128xi32, #tpu.memory_space<vmem>>) semaphore(%arg16 : memref<!tpu.dma_semaphore, #tpu.memory_space<semaphore_mem>>)
    %dma_start3A_26 = arith.constant 2 : i32
    %dma_start3A_27 = arith.constant 0 : i32
    %dma_start3A_28 = arith.constant 0 : i32
    %dma_start3A_29 = arith.constant 0 : i32
    %dma_start3A_30 = tpu.memref_slice %arg7[%dma_start3A_27, %dma_start3A_28, %dma_start3A_29] : memref<2x128x64xf32, #tpu.memory_space<vmem>> -> memref<1x128x64xf32, #tpu.memory_space<vmem>>
    %dma_start3A_31 = tpu.memref_squeeze %dma_start3A_30 : memref<1x128x64xf32, #tpu.memory_space<vmem>> -> memref<128x64xf32, #tpu.memory_space<vmem>>
    %dma_start3A_32 = arith.constant 0 : i32
    %dma_start3A_33 = tpu.memref_slice %arg5[%dma_start3A_26, %dma_start3A_32] : memref<200x128xi32, #tpu.memory_space<vmem>> -> memref<1x128xi32, #tpu.memory_space<vmem>>
    %dma_start3A_34 = tpu.memref_squeeze %dma_start3A_33 : memref<1x128xi32, #tpu.memory_space<vmem>> -> memref<128xi32, #tpu.memory_space<vmem>>
    %dma_start3A_35 = arith.constant 0 : i32
    %dma_start3A_36 = arith.constant 0 : i32
    %dma_start3A_37 = tpu.memref_slice %arg2[%dma_start3A_35, %dma_start3A_36] : memref<1000000x64xf32, #tpu.memory_space<hbm>> -> memref<1000000x64xf32, #tpu.memory_space<hbm>>
    tpu.enqueue_indirect_dma source(%dma_start3A_37 : memref<1000000x64xf32, #tpu.memory_space<hbm>>) target(%dma_start3A_31 : memref<128x64xf32, #tpu.memory_space<vmem>>) offsets(%dma_start3A_34 : memref<128xi32, #tpu.memory_space<vmem>>) semaphore(%arg12 : memref<!tpu.dma_semaphore, #tpu.memory_space<semaphore_mem>>)
    %dma_start3A_38 = arith.constant 3 : i32
    %dma_start3A_39 = arith.constant 1 : i32
    %dma_start3A_40 = arith.constant 0 : i32
    %dma_start3A_41 = arith.constant 0 : i32
    %dma_start3A_42 = tpu.memref_slice %arg7[%dma_start3A_39, %dma_start3A_40, %dma_start3A_41] : memref<2x128x64xf32, #tpu.memory_space<vmem>> -> memref<1x128x64xf32, #tpu.memory_space<vmem>>
    %dma_start3A_43 = tpu.memref_squeeze %dma_start3A_42 : memref<1x128x64xf32, #tpu.memory_space<vmem>> -> memref<128x64xf32, #tpu.memory_space<vmem>>
    %dma_start3A_44 = arith.constant 0 : i32
    %dma_start3A_45 = tpu.memref_slice %arg5[%dma_start3A_38, %dma_start3A_44] : memref<200x128xi32, #tpu.memory_space<vmem>> -> memref<1x128xi32, #tpu.memory_space<vmem>>
    %dma_start3A_46 = tpu.memref_squeeze %dma_start3A_45 : memref<1x128xi32, #tpu.memory_space<vmem>> -> memref<128xi32, #tpu.memory_space<vmem>>
    %dma_start3A_47 = arith.constant 0 : i32
    %dma_start3A_48 = arith.constant 0 : i32
    %dma_start3A_49 = tpu.memref_slice %arg2[%dma_start3A_47, %dma_start3A_48] : memref<1000000x64xf32, #tpu.memory_space<hbm>> -> memref<1000000x64xf32, #tpu.memory_space<hbm>>
    tpu.enqueue_indirect_dma source(%dma_start3A_49 : memref<1000000x64xf32, #tpu.memory_space<hbm>>) target(%dma_start3A_43 : memref<128x64xf32, #tpu.memory_space<vmem>>) offsets(%dma_start3A_46 : memref<128xi32, #tpu.memory_space<vmem>>) semaphore(%arg17 : memref<!tpu.dma_semaphore, #tpu.memory_space<semaphore_mem>>)
    %dma_start3A_50 = arith.constant 4 : i32
    %dma_start3A_51 = arith.constant 0 : i32
    %dma_start3A_52 = arith.constant 0 : i32
    %dma_start3A_53 = arith.constant 0 : i32
    %dma_start3A_54 = tpu.memref_slice %arg8[%dma_start3A_51, %dma_start3A_52, %dma_start3A_53] : memref<2x128x64xf32, #tpu.memory_space<vmem>> -> memref<1x128x64xf32, #tpu.memory_space<vmem>>
    %dma_start3A_55 = tpu.memref_squeeze %dma_start3A_54 : memref<1x128x64xf32, #tpu.memory_space<vmem>> -> memref<128x64xf32, #tpu.memory_space<vmem>>
    %dma_start3A_56 = arith.constant 0 : i32
    %dma_start3A_57 = tpu.memref_slice %arg5[%dma_start3A_50, %dma_start3A_56] : memref<200x128xi32, #tpu.memory_space<vmem>> -> memref<1x128xi32, #tpu.memory_space<vmem>>
    %dma_start3A_58 = tpu.memref_squeeze %dma_start3A_57 : memref<1x128xi32, #tpu.memory_space<vmem>> -> memref<128xi32, #tpu.memory_space<vmem>>
    %dma_start3A_59 = arith.constant 0 : i32
    %dma_start3A_60 = arith.constant 0 : i32
    %dma_start3A_61 = tpu.memref_slice %arg2[%dma_start3A_59, %dma_start3A_60] : memref<1000000x64xf32, #tpu.memory_space<hbm>> -> memref<1000000x64xf32, #tpu.memory_space<hbm>>
    tpu.enqueue_indirect_dma source(%dma_start3A_61 : memref<1000000x64xf32, #tpu.memory_space<hbm>>) target(%dma_start3A_55 : memref<128x64xf32, #tpu.memory_space<vmem>>) offsets(%dma_start3A_58 : memref<128xi32, #tpu.memory_space<vmem>>) semaphore(%arg13 : memref<!tpu.dma_semaphore, #tpu.memory_space<semaphore_mem>>)
    %dma_start3A_62 = arith.constant 5 : i32
    %dma_start3A_63 = arith.constant 1 : i32
    %dma_start3A_64 = arith.constant 0 : i32
    %dma_start3A_65 = arith.constant 0 : i32
    %dma_start3A_66 = tpu.memref_slice %arg8[%dma_start3A_63, %dma_start3A_64, %dma_start3A_65] : memref<2x128x64xf32, #tpu.memory_space<vmem>> -> memref<1x128x64xf32, #tpu.memory_space<vmem>>
    %dma_start3A_67 = tpu.memref_squeeze %dma_start3A_66 : memref<1x128x64xf32, #tpu.memory_space<vmem>> -> memref<128x64xf32, #tpu.memory_space<vmem>>
    %dma_start3A_68 = arith.constant 0 : i32
    %dma_start3A_69 = tpu.memref_slice %arg5[%dma_start3A_62, %dma_start3A_68] : memref<200x128xi32, #tpu.memory_space<vmem>> -> memref<1x128xi32, #tpu.memory_space<vmem>>
    %dma_start3A_70 = tpu.memref_squeeze %dma_start3A_69 : memref<1x128xi32, #tpu.memory_space<vmem>> -> memref<128xi32, #tpu.memory_space<vmem>>
    %dma_start3A_71 = arith.constant 0 : i32
    %dma_start3A_72 = arith.constant 0 : i32
    %dma_start3A_73 = tpu.memref_slice %arg2[%dma_start3A_71, %dma_start3A_72] : memref<1000000x64xf32, #tpu.memory_space<hbm>> -> memref<1000000x64xf32, #tpu.memory_space<hbm>>
    tpu.enqueue_indirect_dma source(%dma_start3A_73 : memref<1000000x64xf32, #tpu.memory_space<hbm>>) target(%dma_start3A_67 : memref<128x64xf32, #tpu.memory_space<vmem>>) offsets(%dma_start3A_70 : memref<128xi32, #tpu.memory_space<vmem>>) semaphore(%arg18 : memref<!tpu.dma_semaphore, #tpu.memory_space<semaphore_mem>>)
    %dma_start3A_74 = arith.constant 6 : i32
    %dma_start3A_75 = arith.constant 0 : i32
    %dma_start3A_76 = arith.constant 0 : i32
    %dma_start3A_77 = arith.constant 0 : i32
    %dma_start3A_78 = tpu.memref_slice %arg9[%dma_start3A_75, %dma_start3A_76, %dma_start3A_77] : memref<2x128x64xf32, #tpu.memory_space<vmem>> -> memref<1x128x64xf32, #tpu.memory_space<vmem>>
    %dma_start3A_79 = tpu.memref_squeeze %dma_start3A_78 : memref<1x128x64xf32, #tpu.memory_space<vmem>> -> memref<128x64xf32, #tpu.memory_space<vmem>>
    %dma_start3A_80 = arith.constant 0 : i32
    %dma_start3A_81 = tpu.memref_slice %arg5[%dma_start3A_74, %dma_start3A_80] : memref<200x128xi32, #tpu.memory_space<vmem>> -> memref<1x128xi32, #tpu.memory_space<vmem>>
    %dma_start3A_82 = tpu.memref_squeeze %dma_start3A_81 : memref<1x128xi32, #tpu.memory_space<vmem>> -> memref<128xi32, #tpu.memory_space<vmem>>
    %dma_start3A_83 = arith.constant 0 : i32
    %dma_start3A_84 = arith.constant 0 : i32
    %dma_start3A_85 = tpu.memref_slice %arg2[%dma_start3A_83, %dma_start3A_84] : memref<1000000x64xf32, #tpu.memory_space<hbm>> -> memref<1000000x64xf32, #tpu.memory_space<hbm>>
    tpu.enqueue_indirect_dma source(%dma_start3A_85 : memref<1000000x64xf32, #tpu.memory_space<hbm>>) target(%dma_start3A_79 : memref<128x64xf32, #tpu.memory_space<vmem>>) offsets(%dma_start3A_82 : memref<128xi32, #tpu.memory_space<vmem>>) semaphore(%arg14 : memref<!tpu.dma_semaphore, #tpu.memory_space<semaphore_mem>>)
    %dma_start3A_86 = arith.constant 7 : i32
    %dma_start3A_87 = arith.constant 1 : i32
    %dma_start3A_88 = arith.constant 0 : i32
    %dma_start3A_89 = arith.constant 0 : i32
    %dma_start3A_90 = tpu.memref_slice %arg9[%dma_start3A_87, %dma_start3A_88, %dma_start3A_89] : memref<2x128x64xf32, #tpu.memory_space<vmem>> -> memref<1x128x64xf32, #tpu.memory_space<vmem>>
    %dma_start3A_91 = tpu.memref_squeeze %dma_start3A_90 : memref<1x128x64xf32, #tpu.memory_space<vmem>> -> memref<128x64xf32, #tpu.memory_space<vmem>>
    %dma_start3A_92 = arith.constant 0 : i32
    %dma_start3A_93 = tpu.memref_slice %arg5[%dma_start3A_86, %dma_start3A_92] : memref<200x128xi32, #tpu.memory_space<vmem>> -> memref<1x128xi32, #tpu.memory_space<vmem>>
    %dma_start3A_94 = tpu.memref_squeeze %dma_start3A_93 : memref<1x128xi32, #tpu.memory_space<vmem>> -> memref<128xi32, #tpu.memory_space<vmem>>
    %dma_start3A_95 = arith.constant 0 : i32
    %dma_start3A_96 = arith.constant 0 : i32
    %dma_start3A_97 = tpu.memref_slice %arg2[%dma_start3A_95, %dma_start3A_96] : memref<1000000x64xf32, #tpu.memory_space<hbm>> -> memref<1000000x64xf32, #tpu.memory_space<hbm>>
    tpu.enqueue_indirect_dma source(%dma_start3A_97 : memref<1000000x64xf32, #tpu.memory_space<hbm>>) target(%dma_start3A_91 : memref<128x64xf32, #tpu.memory_space<vmem>>) offsets(%dma_start3A_94 : memref<128xi32, #tpu.memory_space<vmem>>) semaphore(%arg19 : memref<!tpu.dma_semaphore, #tpu.memory_space<semaphore_mem>>)
    %dma_start3A_98 = arith.constant 8 : i32
    %dma_start3A_99 = arith.constant 0 : i32
    %dma_start3A_100 = arith.constant 0 : i32
    %dma_start3A_101 = arith.constant 0 : i32
    %dma_start3A_102 = tpu.memref_slice %arg10[%dma_start3A_99, %dma_start3A_100, %dma_start3A_101] : memref<2x128x64xf32, #tpu.memory_space<vmem>> -> memref<1x128x64xf32, #tpu.memory_space<vmem>>
    %dma_start3A_103 = tpu.memref_squeeze %dma_start3A_102 : memref<1x128x64xf32, #tpu.memory_space<vmem>> -> memref<128x64xf32, #tpu.memory_space<vmem>>
    %dma_start3A_104 = arith.constant 0 : i32
    %dma_start3A_105 = tpu.memref_slice %arg5[%dma_start3A_98, %dma_start3A_104] : memref<200x128xi32, #tpu.memory_space<vmem>> -> memref<1x128xi32, #tpu.memory_space<vmem>>
    %dma_start3A_106 = tpu.memref_squeeze %dma_start3A_105 : memref<1x128xi32, #tpu.memory_space<vmem>> -> memref<128xi32, #tpu.memory_space<vmem>>
    %dma_start3A_107 = arith.constant 0 : i32
    %dma_start3A_108 = arith.constant 0 : i32
    %dma_start3A_109 = tpu.memref_slice %arg2[%dma_start3A_107, %dma_start3A_108] : memref<1000000x64xf32, #tpu.memory_space<hbm>> -> memref<1000000x64xf32, #tpu.memory_space<hbm>>
    tpu.enqueue_indirect_dma source(%dma_start3A_109 : memref<1000000x64xf32, #tpu.memory_space<hbm>>) target(%dma_start3A_103 : memref<128x64xf32, #tpu.memory_space<vmem>>) offsets(%dma_start3A_106 : memref<128xi32, #tpu.memory_space<vmem>>) semaphore(%arg15 : memref<!tpu.dma_semaphore, #tpu.memory_space<semaphore_mem>>)
    %dma_start3A_110 = arith.constant 9 : i32
    %dma_start3A_111 = arith.constant 1 : i32
    %dma_start3A_112 = arith.constant 0 : i32
    %dma_start3A_113 = arith.constant 0 : i32
    %dma_start3A_114 = tpu.memref_slice %arg10[%dma_start3A_111, %dma_start3A_112, %dma_start3A_113] : memref<2x128x64xf32, #tpu.memory_space<vmem>> -> memref<1x128x64xf32, #tpu.memory_space<vmem>>
    %dma_start3A_115 = tpu.memref_squeeze %dma_start3A_114 : memref<1x128x64xf32, #tpu.memory_space<vmem>> -> memref<128x64xf32, #tpu.memory_space<vmem>>
    %dma_start3A_116 = arith.constant 0 : i32
    %dma_start3A_117 = tpu.memref_slice %arg5[%dma_start3A_110, %dma_start3A_116] : memref<200x128xi32, #tpu.memory_space<vmem>> -> memref<1x128xi32, #tpu.memory_space<vmem>>
    %dma_start3A_118 = tpu.memref_squeeze %dma_start3A_117 : memref<1x128xi32, #tpu.memory_space<vmem>> -> memref<128xi32, #tpu.memory_space<vmem>>
    %dma_start3A_119 = arith.constant 0 : i32
    %dma_start3A_120 = arith.constant 0 : i32
    %dma_start3A_121 = tpu.memref_slice %arg2[%dma_start3A_119, %dma_start3A_120] : memref<1000000x64xf32, #tpu.memory_space<hbm>> -> memref<1000000x64xf32, #tpu.memory_space<hbm>>
    tpu.enqueue_indirect_dma source(%dma_start3A_121 : memref<1000000x64xf32, #tpu.memory_space<hbm>>) target(%dma_start3A_115 : memref<128x64xf32, #tpu.memory_space<vmem>>) offsets(%dma_start3A_118 : memref<128xi32, #tpu.memory_space<vmem>>) semaphore(%arg20 : memref<!tpu.dma_semaphore, #tpu.memory_space<semaphore_mem>>)
    %scan3A = arith.constant 0 : i32
    %scan3A_122 = arith.constant 0 : i32
    %scan3A_123 = arith.constant 20 : i32
    %scan3A_124 = arith.addi %scan3A_122, %scan3A_123 : i32
    %scan3A_125 = arith.constant 1 : i32
    scf.for %scan3A_276 = %scan3A_122 to %scan3A_124 step %scan3A_125  : i32 {
      %mul3A_277 = arith.constant 5 : i32
      %mul3A_278 = arith.muli %mul3A_277, %scan3A_276 : i32
      %add3A_279 = arith.constant 0 : i32
      %add3A_280 = arith.addi %mul3A_278, %add3A_279 : i32
      %mul3A_281 = arith.constant 2 : i32
      %mul3A_282 = arith.muli %mul3A_281, %add3A_280 : i32
      %dma_wait3A_283 = arith.constant 0 : i32
      %dma_wait3A_284 = arith.constant 0 : i32
      %dma_wait3A_285 = arith.constant 0 : i32
      %dma_wait3A_286 = tpu.memref_slice %arg6[%dma_wait3A_283, %dma_wait3A_284, %dma_wait3A_285] : memref<2x128x64xf32, #tpu.memory_space<vmem>> -> memref<1x128x64xf32, #tpu.memory_space<vmem>>
      %dma_wait3A_287 = tpu.memref_squeeze %dma_wait3A_286 : memref<1x128x64xf32, #tpu.memory_space<vmem>> -> memref<128x64xf32, #tpu.memory_space<vmem>>
      %dma_wait3A_288 = arith.constant 0 : i32
      %dma_wait3A_289 = tpu.memref_slice %arg5[%mul3A_282, %dma_wait3A_288] : memref<200x128xi32, #tpu.memory_space<vmem>> -> memref<1x128xi32, #tpu.memory_space<vmem>>
      %dma_wait3A_290 = tpu.memref_squeeze %dma_wait3A_289 : memref<1x128xi32, #tpu.memory_space<vmem>> -> memref<128xi32, #tpu.memory_space<vmem>>
      %dma_wait3A_291 = arith.constant 0 : i32
      %dma_wait3A_292 = arith.constant 0 : i32
      %dma_wait3A_293 = tpu.memref_slice %arg2[%dma_wait3A_291, %dma_wait3A_292] : memref<1000000x64xf32, #tpu.memory_space<hbm>> -> memref<1000000x64xf32, #tpu.memory_space<hbm>>
      tpu.wait_indirect_dma semaphore(%arg11 : memref<!tpu.dma_semaphore, #tpu.memory_space<semaphore_mem>>) src(%dma_wait3A_293 : memref<1000000x64xf32, #tpu.memory_space<hbm>>) dst(%dma_wait3A_287 : memref<128x64xf32, #tpu.memory_space<vmem>>)
      %mul3A_294 = arith.constant 128 : i32
      %mul3A_295 = arith.muli %add3A_280, %mul3A_294 : i32
      %add3A_296 = arith.addi %mul3A_2, %mul3A_295 : i32
      %dma_start3A_297 = arith.constant 0 : i32
      %dma_start3A_298 = arith.constant 0 : i32
      %dma_start3A_299 = arith.constant 0 : i32
      %dma_start3A_300 = tpu.memref_slice %arg6[%dma_start3A_297, %dma_start3A_298, %dma_start3A_299] : memref<2x128x64xf32, #tpu.memory_space<vmem>> -> memref<1x128x64xf32, #tpu.memory_space<vmem>>
      %dma_start3A_301 = tpu.memref_squeeze %dma_start3A_300 : memref<1x128x64xf32, #tpu.memory_space<vmem>> -> memref<128x64xf32, #tpu.memory_space<vmem>>
      %dma_start3A_302 = arith.constant 0 : i32
      %dma_start3A_303 = tpu.memref_slice %arg4[%add3A_296, %dma_start3A_302] : memref<409600x128xf32, #tpu.memory_space<hbm>> -> memref<128x64xf32, #tpu.memory_space<hbm>>
      %dma_start3A_304 = arith.constant 0 : i32
      %dma_start3A_305 = tpu.memref_slice %arg4[%add3A_296, %dma_start3A_304] : memref<409600x128xf32, #tpu.memory_space<hbm>> -> memref<128x64xf32, #tpu.memory_space<hbm>>
      %dma_start3A_306 = arith.constant 0 : i32
      %dma_start3A_307 = arith.constant 0 : i32
      %dma_start3A_308 = tpu.memref_slice %arg6[%dma_start3A_297, %dma_start3A_306, %dma_start3A_307] : memref<2x128x64xf32, #tpu.memory_space<vmem>> -> memref<1x128x64xf32, #tpu.memory_space<vmem>>
      %dma_start3A_309 = tpu.memref_squeeze %dma_start3A_308 : memref<1x128x64xf32, #tpu.memory_space<vmem>> -> memref<128x64xf32, #tpu.memory_space<vmem>>
      tpu.enqueue_dma source(%dma_start3A_309 : memref<128x64xf32, #tpu.memory_space<vmem>>) target(%dma_start3A_305 : memref<128x64xf32, #tpu.memory_space<hbm>>) target_semaphore(%arg11 : memref<!tpu.dma_semaphore, #tpu.memory_space<semaphore_mem>>)
      %mul3A_310 = arith.constant 2 : i32
      %mul3A_311 = arith.muli %mul3A_310, %add3A_280 : i32
      %add3A_312 = arith.constant 1 : i32
      %add3A_313 = arith.addi %mul3A_311, %add3A_312 : i32
      %dma_wait3A_314 = arith.constant 1 : i32
      %dma_wait3A_315 = arith.constant 0 : i32
      %dma_wait3A_316 = arith.constant 0 : i32
      %dma_wait3A_317 = tpu.memref_slice %arg6[%dma_wait3A_314, %dma_wait3A_315, %dma_wait3A_316] : memref<2x128x64xf32, #tpu.memory_space<vmem>> -> memref<1x128x64xf32, #tpu.memory_space<vmem>>
      %dma_wait3A_318 = tpu.memref_squeeze %dma_wait3A_317 : memref<1x128x64xf32, #tpu.memory_space<vmem>> -> memref<128x64xf32, #tpu.memory_space<vmem>>
      %dma_wait3A_319 = arith.constant 0 : i32
      %dma_wait3A_320 = tpu.memref_slice %arg5[%add3A_313, %dma_wait3A_319] : memref<200x128xi32, #tpu.memory_space<vmem>> -> memref<1x128xi32, #tpu.memory_space<vmem>>
      %dma_wait3A_321 = tpu.memref_squeeze %dma_wait3A_320 : memref<1x128xi32, #tpu.memory_space<vmem>> -> memref<128xi32, #tpu.memory_space<vmem>>
      %dma_wait3A_322 = arith.constant 0 : i32
      %dma_wait3A_323 = arith.constant 0 : i32
      %dma_wait3A_324 = tpu.memref_slice %arg2[%dma_wait3A_322, %dma_wait3A_323] : memref<1000000x64xf32, #tpu.memory_space<hbm>> -> memref<1000000x64xf32, #tpu.memory_space<hbm>>
      tpu.wait_indirect_dma semaphore(%arg16 : memref<!tpu.dma_semaphore, #tpu.memory_space<semaphore_mem>>) src(%dma_wait3A_324 : memref<1000000x64xf32, #tpu.memory_space<hbm>>) dst(%dma_wait3A_318 : memref<128x64xf32, #tpu.memory_space<vmem>>)
      %mul3A_325 = arith.constant 128 : i32
      %mul3A_326 = arith.muli %add3A_280, %mul3A_325 : i32
      %add3A_327 = arith.addi %mul3A_2, %mul3A_326 : i32
      %dma_start3A_328 = arith.constant 1 : i32
      %dma_start3A_329 = arith.constant 0 : i32
      %dma_start3A_330 = arith.constant 0 : i32
      %dma_start3A_331 = tpu.memref_slice %arg6[%dma_start3A_328, %dma_start3A_329, %dma_start3A_330] : memref<2x128x64xf32, #tpu.memory_space<vmem>> -> memref<1x128x64xf32, #tpu.memory_space<vmem>>
      %dma_start3A_332 = tpu.memref_squeeze %dma_start3A_331 : memref<1x128x64xf32, #tpu.memory_space<vmem>> -> memref<128x64xf32, #tpu.memory_space<vmem>>
      %dma_start3A_333 = arith.constant 64 : i32
      %dma_start3A_334 = tpu.memref_slice %arg4[%add3A_327, %dma_start3A_333] : memref<409600x128xf32, #tpu.memory_space<hbm>> -> memref<128x64xf32, #tpu.memory_space<hbm>>
      %dma_start3A_335 = arith.constant 64 : i32
      %dma_start3A_336 = tpu.memref_slice %arg4[%add3A_327, %dma_start3A_335] : memref<409600x128xf32, #tpu.memory_space<hbm>> -> memref<128x64xf32, #tpu.memory_space<hbm>>
      %dma_start3A_337 = arith.constant 0 : i32
      %dma_start3A_338 = arith.constant 0 : i32
      %dma_start3A_339 = tpu.memref_slice %arg6[%dma_start3A_328, %dma_start3A_337, %dma_start3A_338] : memref<2x128x64xf32, #tpu.memory_space<vmem>> -> memref<1x128x64xf32, #tpu.memory_space<vmem>>
      %dma_start3A_340 = tpu.memref_squeeze %dma_start3A_339 : memref<1x128x64xf32, #tpu.memory_space<vmem>> -> memref<128x64xf32, #tpu.memory_space<vmem>>
      tpu.enqueue_dma source(%dma_start3A_340 : memref<128x64xf32, #tpu.memory_space<vmem>>) target(%dma_start3A_336 : memref<128x64xf32, #tpu.memory_space<hbm>>) target_semaphore(%arg16 : memref<!tpu.dma_semaphore, #tpu.memory_space<semaphore_mem>>)
      %add3A_341 = arith.constant 1 : i32
      %add3A_342 = arith.addi %mul3A_278, %add3A_341 : i32
      %mul3A_343 = arith.constant 2 : i32
      %mul3A_344 = arith.muli %mul3A_343, %add3A_342 : i32
      %dma_wait3A_345 = arith.constant 0 : i32
      %dma_wait3A_346 = arith.constant 0 : i32
      %dma_wait3A_347 = arith.constant 0 : i32
      %dma_wait3A_348 = tpu.memref_slice %arg7[%dma_wait3A_345, %dma_wait3A_346, %dma_wait3A_347] : memref<2x128x64xf32, #tpu.memory_space<vmem>> -> memref<1x128x64xf32, #tpu.memory_space<vmem>>
      %dma_wait3A_349 = tpu.memref_squeeze %dma_wait3A_348 : memref<1x128x64xf32, #tpu.memory_space<vmem>> -> memref<128x64xf32, #tpu.memory_space<vmem>>
      %dma_wait3A_350 = arith.constant 0 : i32
      %dma_wait3A_351 = tpu.memref_slice %arg5[%mul3A_344, %dma_wait3A_350] : memref<200x128xi32, #tpu.memory_space<vmem>> -> memref<1x128xi32, #tpu.memory_space<vmem>>
      %dma_wait3A_352 = tpu.memref_squeeze %dma_wait3A_351 : memref<1x128xi32, #tpu.memory_space<vmem>> -> memref<128xi32, #tpu.memory_space<vmem>>
      %dma_wait3A_353 = arith.constant 0 : i32
      %dma_wait3A_354 = arith.constant 0 : i32
      %dma_wait3A_355 = tpu.memref_slice %arg2[%dma_wait3A_353, %dma_wait3A_354] : memref<1000000x64xf32, #tpu.memory_space<hbm>> -> memref<1000000x64xf32, #tpu.memory_space<hbm>>
      tpu.wait_indirect_dma semaphore(%arg12 : memref<!tpu.dma_semaphore, #tpu.memory_space<semaphore_mem>>) src(%dma_wait3A_355 : memref<1000000x64xf32, #tpu.memory_space<hbm>>) dst(%dma_wait3A_349 : memref<128x64xf32, #tpu.memory_space<vmem>>)
      %mul3A_356 = arith.constant 128 : i32
      %mul3A_357 = arith.muli %add3A_342, %mul3A_356 : i32
      %add3A_358 = arith.addi %mul3A_2, %mul3A_357 : i32
      %dma_start3A_359 = arith.constant 0 : i32
      %dma_start3A_360 = arith.constant 0 : i32
      %dma_start3A_361 = arith.constant 0 : i32
      %dma_start3A_362 = tpu.memref_slice %arg7[%dma_start3A_359, %dma_start3A_360, %dma_start3A_361] : memref<2x128x64xf32, #tpu.memory_space<vmem>> -> memref<1x128x64xf32, #tpu.memory_space<vmem>>
      %dma_start3A_363 = tpu.memref_squeeze %dma_start3A_362 : memref<1x128x64xf32, #tpu.memory_space<vmem>> -> memref<128x64xf32, #tpu.memory_space<vmem>>
      %dma_start3A_364 = arith.constant 0 : i32
      %dma_start3A_365 = tpu.memref_slice %arg4[%add3A_358, %dma_start3A_364] : memref<409600x128xf32, #tpu.memory_space<hbm>> -> memref<128x64xf32, #tpu.memory_space<hbm>>
      %dma_start3A_366 = arith.constant 0 : i32
      %dma_start3A_367 = tpu.memref_slice %arg4[%add3A_358, %dma_start3A_366] : memref<409600x128xf32, #tpu.memory_space<hbm>> -> memref<128x64xf32, #tpu.memory_space<hbm>>
      %dma_start3A_368 = arith.constant 0 : i32
      %dma_start3A_369 = arith.constant 0 : i32
      %dma_start3A_370 = tpu.memref_slice %arg7[%dma_start3A_359, %dma_start3A_368, %dma_start3A_369] : memref<2x128x64xf32, #tpu.memory_space<vmem>> -> memref<1x128x64xf32, #tpu.memory_space<vmem>>
      %dma_start3A_371 = tpu.memref_squeeze %dma_start3A_370 : memref<1x128x64xf32, #tpu.memory_space<vmem>> -> memref<128x64xf32, #tpu.memory_space<vmem>>
      tpu.enqueue_dma source(%dma_start3A_371 : memref<128x64xf32, #tpu.memory_space<vmem>>) target(%dma_start3A_367 : memref<128x64xf32, #tpu.memory_space<hbm>>) target_semaphore(%arg12 : memref<!tpu.dma_semaphore, #tpu.memory_space<semaphore_mem>>)
      %mul3A_372 = arith.constant 2 : i32
      %mul3A_373 = arith.muli %mul3A_372, %add3A_342 : i32
      %add3A_374 = arith.constant 1 : i32
      %add3A_375 = arith.addi %mul3A_373, %add3A_374 : i32
      %dma_wait3A_376 = arith.constant 1 : i32
      %dma_wait3A_377 = arith.constant 0 : i32
      %dma_wait3A_378 = arith.constant 0 : i32
      %dma_wait3A_379 = tpu.memref_slice %arg7[%dma_wait3A_376, %dma_wait3A_377, %dma_wait3A_378] : memref<2x128x64xf32, #tpu.memory_space<vmem>> -> memref<1x128x64xf32, #tpu.memory_space<vmem>>
      %dma_wait3A_380 = tpu.memref_squeeze %dma_wait3A_379 : memref<1x128x64xf32, #tpu.memory_space<vmem>> -> memref<128x64xf32, #tpu.memory_space<vmem>>
      %dma_wait3A_381 = arith.constant 0 : i32
      %dma_wait3A_382 = tpu.memref_slice %arg5[%add3A_375, %dma_wait3A_381] : memref<200x128xi32, #tpu.memory_space<vmem>> -> memref<1x128xi32, #tpu.memory_space<vmem>>
      %dma_wait3A_383 = tpu.memref_squeeze %dma_wait3A_382 : memref<1x128xi32, #tpu.memory_space<vmem>> -> memref<128xi32, #tpu.memory_space<vmem>>
      %dma_wait3A_384 = arith.constant 0 : i32
      %dma_wait3A_385 = arith.constant 0 : i32
      %dma_wait3A_386 = tpu.memref_slice %arg2[%dma_wait3A_384, %dma_wait3A_385] : memref<1000000x64xf32, #tpu.memory_space<hbm>> -> memref<1000000x64xf32, #tpu.memory_space<hbm>>
      tpu.wait_indirect_dma semaphore(%arg17 : memref<!tpu.dma_semaphore, #tpu.memory_space<semaphore_mem>>) src(%dma_wait3A_386 : memref<1000000x64xf32, #tpu.memory_space<hbm>>) dst(%dma_wait3A_380 : memref<128x64xf32, #tpu.memory_space<vmem>>)
      %mul3A_387 = arith.constant 128 : i32
      %mul3A_388 = arith.muli %add3A_342, %mul3A_387 : i32
      %add3A_389 = arith.addi %mul3A_2, %mul3A_388 : i32
      %dma_start3A_390 = arith.constant 1 : i32
      %dma_start3A_391 = arith.constant 0 : i32
      %dma_start3A_392 = arith.constant 0 : i32
      %dma_start3A_393 = tpu.memref_slice %arg7[%dma_start3A_390, %dma_start3A_391, %dma_start3A_392] : memref<2x128x64xf32, #tpu.memory_space<vmem>> -> memref<1x128x64xf32, #tpu.memory_space<vmem>>
      %dma_start3A_394 = tpu.memref_squeeze %dma_start3A_393 : memref<1x128x64xf32, #tpu.memory_space<vmem>> -> memref<128x64xf32, #tpu.memory_space<vmem>>
      %dma_start3A_395 = arith.constant 64 : i32
      %dma_start3A_396 = tpu.memref_slice %arg4[%add3A_389, %dma_start3A_395] : memref<409600x128xf32, #tpu.memory_space<hbm>> -> memref<128x64xf32, #tpu.memory_space<hbm>>
      %dma_start3A_397 = arith.constant 64 : i32
      %dma_start3A_398 = tpu.memref_slice %arg4[%add3A_389, %dma_start3A_397] : memref<409600x128xf32, #tpu.memory_space<hbm>> -> memref<128x64xf32, #tpu.memory_space<hbm>>
      %dma_start3A_399 = arith.constant 0 : i32
      %dma_start3A_400 = arith.constant 0 : i32
      %dma_start3A_401 = tpu.memref_slice %arg7[%dma_start3A_390, %dma_start3A_399, %dma_start3A_400] : memref<2x128x64xf32, #tpu.memory_space<vmem>> -> memref<1x128x64xf32, #tpu.memory_space<vmem>>
      %dma_start3A_402 = tpu.memref_squeeze %dma_start3A_401 : memref<1x128x64xf32, #tpu.memory_space<vmem>> -> memref<128x64xf32, #tpu.memory_space<vmem>>
      tpu.enqueue_dma source(%dma_start3A_402 : memref<128x64xf32, #tpu.memory_space<vmem>>) target(%dma_start3A_398 : memref<128x64xf32, #tpu.memory_space<hbm>>) target_semaphore(%arg17 : memref<!tpu.dma_semaphore, #tpu.memory_space<semaphore_mem>>)
      %add3A_403 = arith.constant 2 : i32
      %add3A_404 = arith.addi %mul3A_278, %add3A_403 : i32
      %mul3A_405 = arith.constant 2 : i32
      %mul3A_406 = arith.muli %mul3A_405, %add3A_404 : i32
      %dma_wait3A_407 = arith.constant 0 : i32
      %dma_wait3A_408 = arith.constant 0 : i32
      %dma_wait3A_409 = arith.constant 0 : i32
      %dma_wait3A_410 = tpu.memref_slice %arg8[%dma_wait3A_407, %dma_wait3A_408, %dma_wait3A_409] : memref<2x128x64xf32, #tpu.memory_space<vmem>> -> memref<1x128x64xf32, #tpu.memory_space<vmem>>
      %dma_wait3A_411 = tpu.memref_squeeze %dma_wait3A_410 : memref<1x128x64xf32, #tpu.memory_space<vmem>> -> memref<128x64xf32, #tpu.memory_space<vmem>>
      %dma_wait3A_412 = arith.constant 0 : i32
      %dma_wait3A_413 = tpu.memref_slice %arg5[%mul3A_406, %dma_wait3A_412] : memref<200x128xi32, #tpu.memory_space<vmem>> -> memref<1x128xi32, #tpu.memory_space<vmem>>
      %dma_wait3A_414 = tpu.memref_squeeze %dma_wait3A_413 : memref<1x128xi32, #tpu.memory_space<vmem>> -> memref<128xi32, #tpu.memory_space<vmem>>
      %dma_wait3A_415 = arith.constant 0 : i32
      %dma_wait3A_416 = arith.constant 0 : i32
      %dma_wait3A_417 = tpu.memref_slice %arg2[%dma_wait3A_415, %dma_wait3A_416] : memref<1000000x64xf32, #tpu.memory_space<hbm>> -> memref<1000000x64xf32, #tpu.memory_space<hbm>>
      tpu.wait_indirect_dma semaphore(%arg13 : memref<!tpu.dma_semaphore, #tpu.memory_space<semaphore_mem>>) src(%dma_wait3A_417 : memref<1000000x64xf32, #tpu.memory_space<hbm>>) dst(%dma_wait3A_411 : memref<128x64xf32, #tpu.memory_space<vmem>>)
      %mul3A_418 = arith.constant 128 : i32
      %mul3A_419 = arith.muli %add3A_404, %mul3A_418 : i32
      %add3A_420 = arith.addi %mul3A_2, %mul3A_419 : i32
      %dma_start3A_421 = arith.constant 0 : i32
      %dma_start3A_422 = arith.constant 0 : i32
      %dma_start3A_423 = arith.constant 0 : i32
      %dma_start3A_424 = tpu.memref_slice %arg8[%dma_start3A_421, %dma_start3A_422, %dma_start3A_423] : memref<2x128x64xf32, #tpu.memory_space<vmem>> -> memref<1x128x64xf32, #tpu.memory_space<vmem>>
      %dma_start3A_425 = tpu.memref_squeeze %dma_start3A_424 : memref<1x128x64xf32, #tpu.memory_space<vmem>> -> memref<128x64xf32, #tpu.memory_space<vmem>>
      %dma_start3A_426 = arith.constant 0 : i32
      %dma_start3A_427 = tpu.memref_slice %arg4[%add3A_420, %dma_start3A_426] : memref<409600x128xf32, #tpu.memory_space<hbm>> -> memref<128x64xf32, #tpu.memory_space<hbm>>
      %dma_start3A_428 = arith.constant 0 : i32
      %dma_start3A_429 = tpu.memref_slice %arg4[%add3A_420, %dma_start3A_428] : memref<409600x128xf32, #tpu.memory_space<hbm>> -> memref<128x64xf32, #tpu.memory_space<hbm>>
      %dma_start3A_430 = arith.constant 0 : i32
      %dma_start3A_431 = arith.constant 0 : i32
      %dma_start3A_432 = tpu.memref_slice %arg8[%dma_start3A_421, %dma_start3A_430, %dma_start3A_431] : memref<2x128x64xf32, #tpu.memory_space<vmem>> -> memref<1x128x64xf32, #tpu.memory_space<vmem>>
      %dma_start3A_433 = tpu.memref_squeeze %dma_start3A_432 : memref<1x128x64xf32, #tpu.memory_space<vmem>> -> memref<128x64xf32, #tpu.memory_space<vmem>>
      tpu.enqueue_dma source(%dma_start3A_433 : memref<128x64xf32, #tpu.memory_space<vmem>>) target(%dma_start3A_429 : memref<128x64xf32, #tpu.memory_space<hbm>>) target_semaphore(%arg13 : memref<!tpu.dma_semaphore, #tpu.memory_space<semaphore_mem>>)
      %mul3A_434 = arith.constant 2 : i32
      %mul3A_435 = arith.muli %mul3A_434, %add3A_404 : i32
      %add3A_436 = arith.constant 1 : i32
      %add3A_437 = arith.addi %mul3A_435, %add3A_436 : i32
      %dma_wait3A_438 = arith.constant 1 : i32
      %dma_wait3A_439 = arith.constant 0 : i32
      %dma_wait3A_440 = arith.constant 0 : i32
      %dma_wait3A_441 = tpu.memref_slice %arg8[%dma_wait3A_438, %dma_wait3A_439, %dma_wait3A_440] : memref<2x128x64xf32, #tpu.memory_space<vmem>> -> memref<1x128x64xf32, #tpu.memory_space<vmem>>
      %dma_wait3A_442 = tpu.memref_squeeze %dma_wait3A_441 : memref<1x128x64xf32, #tpu.memory_space<vmem>> -> memref<128x64xf32, #tpu.memory_space<vmem>>
      %dma_wait3A_443 = arith.constant 0 : i32
      %dma_wait3A_444 = tpu.memref_slice %arg5[%add3A_437, %dma_wait3A_443] : memref<200x128xi32, #tpu.memory_space<vmem>> -> memref<1x128xi32, #tpu.memory_space<vmem>>
      %dma_wait3A_445 = tpu.memref_squeeze %dma_wait3A_444 : memref<1x128xi32, #tpu.memory_space<vmem>> -> memref<128xi32, #tpu.memory_space<vmem>>
      %dma_wait3A_446 = arith.constant 0 : i32
      %dma_wait3A_447 = arith.constant 0 : i32
      %dma_wait3A_448 = tpu.memref_slice %arg2[%dma_wait3A_446, %dma_wait3A_447] : memref<1000000x64xf32, #tpu.memory_space<hbm>> -> memref<1000000x64xf32, #tpu.memory_space<hbm>>
      tpu.wait_indirect_dma semaphore(%arg18 : memref<!tpu.dma_semaphore, #tpu.memory_space<semaphore_mem>>) src(%dma_wait3A_448 : memref<1000000x64xf32, #tpu.memory_space<hbm>>) dst(%dma_wait3A_442 : memref<128x64xf32, #tpu.memory_space<vmem>>)
      %mul3A_449 = arith.constant 128 : i32
      %mul3A_450 = arith.muli %add3A_404, %mul3A_449 : i32
      %add3A_451 = arith.addi %mul3A_2, %mul3A_450 : i32
      %dma_start3A_452 = arith.constant 1 : i32
      %dma_start3A_453 = arith.constant 0 : i32
      %dma_start3A_454 = arith.constant 0 : i32
      %dma_start3A_455 = tpu.memref_slice %arg8[%dma_start3A_452, %dma_start3A_453, %dma_start3A_454] : memref<2x128x64xf32, #tpu.memory_space<vmem>> -> memref<1x128x64xf32, #tpu.memory_space<vmem>>
      %dma_start3A_456 = tpu.memref_squeeze %dma_start3A_455 : memref<1x128x64xf32, #tpu.memory_space<vmem>> -> memref<128x64xf32, #tpu.memory_space<vmem>>
      %dma_start3A_457 = arith.constant 64 : i32
      %dma_start3A_458 = tpu.memref_slice %arg4[%add3A_451, %dma_start3A_457] : memref<409600x128xf32, #tpu.memory_space<hbm>> -> memref<128x64xf32, #tpu.memory_space<hbm>>
      %dma_start3A_459 = arith.constant 64 : i32
      %dma_start3A_460 = tpu.memref_slice %arg4[%add3A_451, %dma_start3A_459] : memref<409600x128xf32, #tpu.memory_space<hbm>> -> memref<128x64xf32, #tpu.memory_space<hbm>>
      %dma_start3A_461 = arith.constant 0 : i32
      %dma_start3A_462 = arith.constant 0 : i32
      %dma_start3A_463 = tpu.memref_slice %arg8[%dma_start3A_452, %dma_start3A_461, %dma_start3A_462] : memref<2x128x64xf32, #tpu.memory_space<vmem>> -> memref<1x128x64xf32, #tpu.memory_space<vmem>>
      %dma_start3A_464 = tpu.memref_squeeze %dma_start3A_463 : memref<1x128x64xf32, #tpu.memory_space<vmem>> -> memref<128x64xf32, #tpu.memory_space<vmem>>
      tpu.enqueue_dma source(%dma_start3A_464 : memref<128x64xf32, #tpu.memory_space<vmem>>) target(%dma_start3A_460 : memref<128x64xf32, #tpu.memory_space<hbm>>) target_semaphore(%arg18 : memref<!tpu.dma_semaphore, #tpu.memory_space<semaphore_mem>>)
      %add3A_465 = arith.constant 3 : i32
      %add3A_466 = arith.addi %mul3A_278, %add3A_465 : i32
      %mul3A_467 = arith.constant 2 : i32
      %mul3A_468 = arith.muli %mul3A_467, %add3A_466 : i32
      %dma_wait3A_469 = arith.constant 0 : i32
      %dma_wait3A_470 = arith.constant 0 : i32
      %dma_wait3A_471 = arith.constant 0 : i32
      %dma_wait3A_472 = tpu.memref_slice %arg9[%dma_wait3A_469, %dma_wait3A_470, %dma_wait3A_471] : memref<2x128x64xf32, #tpu.memory_space<vmem>> -> memref<1x128x64xf32, #tpu.memory_space<vmem>>
      %dma_wait3A_473 = tpu.memref_squeeze %dma_wait3A_472 : memref<1x128x64xf32, #tpu.memory_space<vmem>> -> memref<128x64xf32, #tpu.memory_space<vmem>>
      %dma_wait3A_474 = arith.constant 0 : i32
      %dma_wait3A_475 = tpu.memref_slice %arg5[%mul3A_468, %dma_wait3A_474] : memref<200x128xi32, #tpu.memory_space<vmem>> -> memref<1x128xi32, #tpu.memory_space<vmem>>
      %dma_wait3A_476 = tpu.memref_squeeze %dma_wait3A_475 : memref<1x128xi32, #tpu.memory_space<vmem>> -> memref<128xi32, #tpu.memory_space<vmem>>
      %dma_wait3A_477 = arith.constant 0 : i32
      %dma_wait3A_478 = arith.constant 0 : i32
      %dma_wait3A_479 = tpu.memref_slice %arg2[%dma_wait3A_477, %dma_wait3A_478] : memref<1000000x64xf32, #tpu.memory_space<hbm>> -> memref<1000000x64xf32, #tpu.memory_space<hbm>>
      tpu.wait_indirect_dma semaphore(%arg14 : memref<!tpu.dma_semaphore, #tpu.memory_space<semaphore_mem>>) src(%dma_wait3A_479 : memref<1000000x64xf32, #tpu.memory_space<hbm>>) dst(%dma_wait3A_473 : memref<128x64xf32, #tpu.memory_space<vmem>>)
      %mul3A_480 = arith.constant 128 : i32
      %mul3A_481 = arith.muli %add3A_466, %mul3A_480 : i32
      %add3A_482 = arith.addi %mul3A_2, %mul3A_481 : i32
      %dma_start3A_483 = arith.constant 0 : i32
      %dma_start3A_484 = arith.constant 0 : i32
      %dma_start3A_485 = arith.constant 0 : i32
      %dma_start3A_486 = tpu.memref_slice %arg9[%dma_start3A_483, %dma_start3A_484, %dma_start3A_485] : memref<2x128x64xf32, #tpu.memory_space<vmem>> -> memref<1x128x64xf32, #tpu.memory_space<vmem>>
      %dma_start3A_487 = tpu.memref_squeeze %dma_start3A_486 : memref<1x128x64xf32, #tpu.memory_space<vmem>> -> memref<128x64xf32, #tpu.memory_space<vmem>>
      %dma_start3A_488 = arith.constant 0 : i32
      %dma_start3A_489 = tpu.memref_slice %arg4[%add3A_482, %dma_start3A_488] : memref<409600x128xf32, #tpu.memory_space<hbm>> -> memref<128x64xf32, #tpu.memory_space<hbm>>
      %dma_start3A_490 = arith.constant 0 : i32
      %dma_start3A_491 = tpu.memref_slice %arg4[%add3A_482, %dma_start3A_490] : memref<409600x128xf32, #tpu.memory_space<hbm>> -> memref<128x64xf32, #tpu.memory_space<hbm>>
      %dma_start3A_492 = arith.constant 0 : i32
      %dma_start3A_493 = arith.constant 0 : i32
      %dma_start3A_494 = tpu.memref_slice %arg9[%dma_start3A_483, %dma_start3A_492, %dma_start3A_493] : memref<2x128x64xf32, #tpu.memory_space<vmem>> -> memref<1x128x64xf32, #tpu.memory_space<vmem>>
      %dma_start3A_495 = tpu.memref_squeeze %dma_start3A_494 : memref<1x128x64xf32, #tpu.memory_space<vmem>> -> memref<128x64xf32, #tpu.memory_space<vmem>>
      tpu.enqueue_dma source(%dma_start3A_495 : memref<128x64xf32, #tpu.memory_space<vmem>>) target(%dma_start3A_491 : memref<128x64xf32, #tpu.memory_space<hbm>>) target_semaphore(%arg14 : memref<!tpu.dma_semaphore, #tpu.memory_space<semaphore_mem>>)
      %mul3A_496 = arith.constant 2 : i32
      %mul3A_497 = arith.muli %mul3A_496, %add3A_466 : i32
      %add3A_498 = arith.constant 1 : i32
      %add3A_499 = arith.addi %mul3A_497, %add3A_498 : i32
      %dma_wait3A_500 = arith.constant 1 : i32
      %dma_wait3A_501 = arith.constant 0 : i32
      %dma_wait3A_502 = arith.constant 0 : i32
      %dma_wait3A_503 = tpu.memref_slice %arg9[%dma_wait3A_500, %dma_wait3A_501, %dma_wait3A_502] : memref<2x128x64xf32, #tpu.memory_space<vmem>> -> memref<1x128x64xf32, #tpu.memory_space<vmem>>
      %dma_wait3A_504 = tpu.memref_squeeze %dma_wait3A_503 : memref<1x128x64xf32, #tpu.memory_space<vmem>> -> memref<128x64xf32, #tpu.memory_space<vmem>>
      %dma_wait3A_505 = arith.constant 0 : i32
      %dma_wait3A_506 = tpu.memref_slice %arg5[%add3A_499, %dma_wait3A_505] : memref<200x128xi32, #tpu.memory_space<vmem>> -> memref<1x128xi32, #tpu.memory_space<vmem>>
      %dma_wait3A_507 = tpu.memref_squeeze %dma_wait3A_506 : memref<1x128xi32, #tpu.memory_space<vmem>> -> memref<128xi32, #tpu.memory_space<vmem>>
      %dma_wait3A_508 = arith.constant 0 : i32
      %dma_wait3A_509 = arith.constant 0 : i32
      %dma_wait3A_510 = tpu.memref_slice %arg2[%dma_wait3A_508, %dma_wait3A_509] : memref<1000000x64xf32, #tpu.memory_space<hbm>> -> memref<1000000x64xf32, #tpu.memory_space<hbm>>
      tpu.wait_indirect_dma semaphore(%arg19 : memref<!tpu.dma_semaphore, #tpu.memory_space<semaphore_mem>>) src(%dma_wait3A_510 : memref<1000000x64xf32, #tpu.memory_space<hbm>>) dst(%dma_wait3A_504 : memref<128x64xf32, #tpu.memory_space<vmem>>)
      %mul3A_511 = arith.constant 128 : i32
      %mul3A_512 = arith.muli %add3A_466, %mul3A_511 : i32
      %add3A_513 = arith.addi %mul3A_2, %mul3A_512 : i32
      %dma_start3A_514 = arith.constant 1 : i32
      %dma_start3A_515 = arith.constant 0 : i32
      %dma_start3A_516 = arith.constant 0 : i32
      %dma_start3A_517 = tpu.memref_slice %arg9[%dma_start3A_514, %dma_start3A_515, %dma_start3A_516] : memref<2x128x64xf32, #tpu.memory_space<vmem>> -> memref<1x128x64xf32, #tpu.memory_space<vmem>>
      %dma_start3A_518 = tpu.memref_squeeze %dma_start3A_517 : memref<1x128x64xf32, #tpu.memory_space<vmem>> -> memref<128x64xf32, #tpu.memory_space<vmem>>
      %dma_start3A_519 = arith.constant 64 : i32
      %dma_start3A_520 = tpu.memref_slice %arg4[%add3A_513, %dma_start3A_519] : memref<409600x128xf32, #tpu.memory_space<hbm>> -> memref<128x64xf32, #tpu.memory_space<hbm>>
      %dma_start3A_521 = arith.constant 64 : i32
      %dma_start3A_522 = tpu.memref_slice %arg4[%add3A_513, %dma_start3A_521] : memref<409600x128xf32, #tpu.memory_space<hbm>> -> memref<128x64xf32, #tpu.memory_space<hbm>>
      %dma_start3A_523 = arith.constant 0 : i32
      %dma_start3A_524 = arith.constant 0 : i32
      %dma_start3A_525 = tpu.memref_slice %arg9[%dma_start3A_514, %dma_start3A_523, %dma_start3A_524] : memref<2x128x64xf32, #tpu.memory_space<vmem>> -> memref<1x128x64xf32, #tpu.memory_space<vmem>>
      %dma_start3A_526 = tpu.memref_squeeze %dma_start3A_525 : memref<1x128x64xf32, #tpu.memory_space<vmem>> -> memref<128x64xf32, #tpu.memory_space<vmem>>
      tpu.enqueue_dma source(%dma_start3A_526 : memref<128x64xf32, #tpu.memory_space<vmem>>) target(%dma_start3A_522 : memref<128x64xf32, #tpu.memory_space<hbm>>) target_semaphore(%arg19 : memref<!tpu.dma_semaphore, #tpu.memory_space<semaphore_mem>>)
      %add3A_527 = arith.constant 4 : i32
      %add3A_528 = arith.addi %mul3A_278, %add3A_527 : i32
      %mul3A_529 = arith.constant 2 : i32
      %mul3A_530 = arith.muli %mul3A_529, %add3A_528 : i32
      %dma_wait3A_531 = arith.constant 0 : i32
      %dma_wait3A_532 = arith.constant 0 : i32
      %dma_wait3A_533 = arith.constant 0 : i32
      %dma_wait3A_534 = tpu.memref_slice %arg10[%dma_wait3A_531, %dma_wait3A_532, %dma_wait3A_533] : memref<2x128x64xf32, #tpu.memory_space<vmem>> -> memref<1x128x64xf32, #tpu.memory_space<vmem>>
      %dma_wait3A_535 = tpu.memref_squeeze %dma_wait3A_534 : memref<1x128x64xf32, #tpu.memory_space<vmem>> -> memref<128x64xf32, #tpu.memory_space<vmem>>
      %dma_wait3A_536 = arith.constant 0 : i32
      %dma_wait3A_537 = tpu.memref_slice %arg5[%mul3A_530, %dma_wait3A_536] : memref<200x128xi32, #tpu.memory_space<vmem>> -> memref<1x128xi32, #tpu.memory_space<vmem>>
      %dma_wait3A_538 = tpu.memref_squeeze %dma_wait3A_537 : memref<1x128xi32, #tpu.memory_space<vmem>> -> memref<128xi32, #tpu.memory_space<vmem>>
      %dma_wait3A_539 = arith.constant 0 : i32
      %dma_wait3A_540 = arith.constant 0 : i32
      %dma_wait3A_541 = tpu.memref_slice %arg2[%dma_wait3A_539, %dma_wait3A_540] : memref<1000000x64xf32, #tpu.memory_space<hbm>> -> memref<1000000x64xf32, #tpu.memory_space<hbm>>
      tpu.wait_indirect_dma semaphore(%arg15 : memref<!tpu.dma_semaphore, #tpu.memory_space<semaphore_mem>>) src(%dma_wait3A_541 : memref<1000000x64xf32, #tpu.memory_space<hbm>>) dst(%dma_wait3A_535 : memref<128x64xf32, #tpu.memory_space<vmem>>)
      %mul3A_542 = arith.constant 128 : i32
      %mul3A_543 = arith.muli %add3A_528, %mul3A_542 : i32
      %add3A_544 = arith.addi %mul3A_2, %mul3A_543 : i32
      %dma_start3A_545 = arith.constant 0 : i32
      %dma_start3A_546 = arith.constant 0 : i32
      %dma_start3A_547 = arith.constant 0 : i32
      %dma_start3A_548 = tpu.memref_slice %arg10[%dma_start3A_545, %dma_start3A_546, %dma_start3A_547] : memref<2x128x64xf32, #tpu.memory_space<vmem>> -> memref<1x128x64xf32, #tpu.memory_space<vmem>>
      %dma_start3A_549 = tpu.memref_squeeze %dma_start3A_548 : memref<1x128x64xf32, #tpu.memory_space<vmem>> -> memref<128x64xf32, #tpu.memory_space<vmem>>
      %dma_start3A_550 = arith.constant 0 : i32
      %dma_start3A_551 = tpu.memref_slice %arg4[%add3A_544, %dma_start3A_550] : memref<409600x128xf32, #tpu.memory_space<hbm>> -> memref<128x64xf32, #tpu.memory_space<hbm>>
      %dma_start3A_552 = arith.constant 0 : i32
      %dma_start3A_553 = tpu.memref_slice %arg4[%add3A_544, %dma_start3A_552] : memref<409600x128xf32, #tpu.memory_space<hbm>> -> memref<128x64xf32, #tpu.memory_space<hbm>>
      %dma_start3A_554 = arith.constant 0 : i32
      %dma_start3A_555 = arith.constant 0 : i32
      %dma_start3A_556 = tpu.memref_slice %arg10[%dma_start3A_545, %dma_start3A_554, %dma_start3A_555] : memref<2x128x64xf32, #tpu.memory_space<vmem>> -> memref<1x128x64xf32, #tpu.memory_space<vmem>>
      %dma_start3A_557 = tpu.memref_squeeze %dma_start3A_556 : memref<1x128x64xf32, #tpu.memory_space<vmem>> -> memref<128x64xf32, #tpu.memory_space<vmem>>
      tpu.enqueue_dma source(%dma_start3A_557 : memref<128x64xf32, #tpu.memory_space<vmem>>) target(%dma_start3A_553 : memref<128x64xf32, #tpu.memory_space<hbm>>) target_semaphore(%arg15 : memref<!tpu.dma_semaphore, #tpu.memory_space<semaphore_mem>>)
      %mul3A_558 = arith.constant 2 : i32
      %mul3A_559 = arith.muli %mul3A_558, %add3A_528 : i32
      %add3A_560 = arith.constant 1 : i32
      %add3A_561 = arith.addi %mul3A_559, %add3A_560 : i32
      %dma_wait3A_562 = arith.constant 1 : i32
      %dma_wait3A_563 = arith.constant 0 : i32
      %dma_wait3A_564 = arith.constant 0 : i32
      %dma_wait3A_565 = tpu.memref_slice %arg10[%dma_wait3A_562, %dma_wait3A_563, %dma_wait3A_564] : memref<2x128x64xf32, #tpu.memory_space<vmem>> -> memref<1x128x64xf32, #tpu.memory_space<vmem>>
      %dma_wait3A_566 = tpu.memref_squeeze %dma_wait3A_565 : memref<1x128x64xf32, #tpu.memory_space<vmem>> -> memref<128x64xf32, #tpu.memory_space<vmem>>
      %dma_wait3A_567 = arith.constant 0 : i32
      %dma_wait3A_568 = tpu.memref_slice %arg5[%add3A_561, %dma_wait3A_567] : memref<200x128xi32, #tpu.memory_space<vmem>> -> memref<1x128xi32, #tpu.memory_space<vmem>>
      %dma_wait3A_569 = tpu.memref_squeeze %dma_wait3A_568 : memref<1x128xi32, #tpu.memory_space<vmem>> -> memref<128xi32, #tpu.memory_space<vmem>>
      %dma_wait3A_570 = arith.constant 0 : i32
      %dma_wait3A_571 = arith.constant 0 : i32
      %dma_wait3A_572 = tpu.memref_slice %arg2[%dma_wait3A_570, %dma_wait3A_571] : memref<1000000x64xf32, #tpu.memory_space<hbm>> -> memref<1000000x64xf32, #tpu.memory_space<hbm>>
      tpu.wait_indirect_dma semaphore(%arg20 : memref<!tpu.dma_semaphore, #tpu.memory_space<semaphore_mem>>) src(%dma_wait3A_572 : memref<1000000x64xf32, #tpu.memory_space<hbm>>) dst(%dma_wait3A_566 : memref<128x64xf32, #tpu.memory_space<vmem>>)
      %mul3A_573 = arith.constant 128 : i32
      %mul3A_574 = arith.muli %add3A_528, %mul3A_573 : i32
      %add3A_575 = arith.addi %mul3A_2, %mul3A_574 : i32
      %dma_start3A_576 = arith.constant 1 : i32
      %dma_start3A_577 = arith.constant 0 : i32
      %dma_start3A_578 = arith.constant 0 : i32
      %dma_start3A_579 = tpu.memref_slice %arg10[%dma_start3A_576, %dma_start3A_577, %dma_start3A_578] : memref<2x128x64xf32, #tpu.memory_space<vmem>> -> memref<1x128x64xf32, #tpu.memory_space<vmem>>
      %dma_start3A_580 = tpu.memref_squeeze %dma_start3A_579 : memref<1x128x64xf32, #tpu.memory_space<vmem>> -> memref<128x64xf32, #tpu.memory_space<vmem>>
      %dma_start3A_581 = arith.constant 64 : i32
      %dma_start3A_582 = tpu.memref_slice %arg4[%add3A_575, %dma_start3A_581] : memref<409600x128xf32, #tpu.memory_space<hbm>> -> memref<128x64xf32, #tpu.memory_space<hbm>>
      %dma_start3A_583 = arith.constant 64 : i32
      %dma_start3A_584 = tpu.memref_slice %arg4[%add3A_575, %dma_start3A_583] : memref<409600x128xf32, #tpu.memory_space<hbm>> -> memref<128x64xf32, #tpu.memory_space<hbm>>
      %dma_start3A_585 = arith.constant 0 : i32
      %dma_start3A_586 = arith.constant 0 : i32
      %dma_start3A_587 = tpu.memref_slice %arg10[%dma_start3A_576, %dma_start3A_585, %dma_start3A_586] : memref<2x128x64xf32, #tpu.memory_space<vmem>> -> memref<1x128x64xf32, #tpu.memory_space<vmem>>
      %dma_start3A_588 = tpu.memref_squeeze %dma_start3A_587 : memref<1x128x64xf32, #tpu.memory_space<vmem>> -> memref<128x64xf32, #tpu.memory_space<vmem>>
      tpu.enqueue_dma source(%dma_start3A_588 : memref<128x64xf32, #tpu.memory_space<vmem>>) target(%dma_start3A_584 : memref<128x64xf32, #tpu.memory_space<hbm>>) target_semaphore(%arg20 : memref<!tpu.dma_semaphore, #tpu.memory_space<semaphore_mem>>)
      %add3A_589 = arith.constant 5 : i32
      %add3A_590 = arith.addi %mul3A_278, %add3A_589 : i32
      %lt3A = arith.constant 100 : i32
      %lt3A_591 = arith.cmpi slt, %add3A_590, %lt3A : i32
      %convert_element_type3A = arith.extui %lt3A_591 : i1 to i32
      %cond3A = arith.constant 0 : i32
      %cond3A_592 = arith.cmpi ne, %convert_element_type3A, %cond3A : i32
      scf.if %cond3A_592 {
        %add3A_593 = arith.constant 0 : i32
        %add3A_594 = arith.addi %mul3A_278, %add3A_593 : i32
        %mul3A_595 = arith.constant 128 : i32
        %mul3A_596 = arith.muli %add3A_594, %mul3A_595 : i32
        %add3A_597 = arith.addi %mul3A_2, %mul3A_596 : i32
        %dma_wait3A_598 = arith.constant 0 : i32
        %dma_wait3A_599 = arith.constant 0 : i32
        %dma_wait3A_600 = arith.constant 0 : i32
        %dma_wait3A_601 = tpu.memref_slice %arg6[%dma_wait3A_598, %dma_wait3A_599, %dma_wait3A_600] : memref<2x128x64xf32, #tpu.memory_space<vmem>> -> memref<1x128x64xf32, #tpu.memory_space<vmem>>
        %dma_wait3A_602 = tpu.memref_squeeze %dma_wait3A_601 : memref<1x128x64xf32, #tpu.memory_space<vmem>> -> memref<128x64xf32, #tpu.memory_space<vmem>>
        %dma_wait3A_603 = arith.constant 0 : i32
        %dma_wait3A_604 = tpu.memref_slice %arg4[%add3A_597, %dma_wait3A_603] : memref<409600x128xf32, #tpu.memory_space<hbm>> -> memref<128x64xf32, #tpu.memory_space<hbm>>
        %dma_wait3A_605 = arith.constant 0 : i32
        %dma_wait3A_606 = tpu.memref_slice %arg4[%add3A_597, %dma_wait3A_605] : memref<409600x128xf32, #tpu.memory_space<hbm>> -> memref<128x64xf32, #tpu.memory_space<hbm>>
        %dma_wait3A_607 = arith.constant 0 : i32
        %dma_wait3A_608 = arith.constant 0 : i32
        %dma_wait3A_609 = tpu.memref_slice %arg6[%dma_wait3A_598, %dma_wait3A_607, %dma_wait3A_608] : memref<2x128x64xf32, #tpu.memory_space<vmem>> -> memref<1x128x64xf32, #tpu.memory_space<vmem>>
        %dma_wait3A_610 = tpu.memref_squeeze %dma_wait3A_609 : memref<1x128x64xf32, #tpu.memory_space<vmem>> -> memref<128x64xf32, #tpu.memory_space<vmem>>
        tpu.wait_dma2 semaphore(%arg11 : memref<!tpu.dma_semaphore, #tpu.memory_space<semaphore_mem>>) src(%dma_wait3A_610 : memref<128x64xf32, #tpu.memory_space<vmem>>) dst(%dma_wait3A_606 : memref<128x64xf32, #tpu.memory_space<hbm>>)
        %add3A_611 = arith.constant 5 : i32
        %add3A_612 = arith.addi %add3A_594, %add3A_611 : i32
        %mul3A_613 = arith.constant 2 : i32
        %mul3A_614 = arith.muli %mul3A_613, %add3A_612 : i32
        %dma_start3A_615 = arith.constant 0 : i32
        %dma_start3A_616 = arith.constant 0 : i32
        %dma_start3A_617 = arith.constant 0 : i32
        %dma_start3A_618 = tpu.memref_slice %arg6[%dma_start3A_615, %dma_start3A_616, %dma_start3A_617] : memref<2x128x64xf32, #tpu.memory_space<vmem>> -> memref<1x128x64xf32, #tpu.memory_space<vmem>>
        %dma_start3A_619 = tpu.memref_squeeze %dma_start3A_618 : memref<1x128x64xf32, #tpu.memory_space<vmem>> -> memref<128x64xf32, #tpu.memory_space<vmem>>
        %dma_start3A_620 = arith.constant 0 : i32
        %dma_start3A_621 = tpu.memref_slice %arg5[%mul3A_614, %dma_start3A_620] : memref<200x128xi32, #tpu.memory_space<vmem>> -> memref<1x128xi32, #tpu.memory_space<vmem>>
        %dma_start3A_622 = tpu.memref_squeeze %dma_start3A_621 : memref<1x128xi32, #tpu.memory_space<vmem>> -> memref<128xi32, #tpu.memory_space<vmem>>
        %dma_start3A_623 = arith.constant 0 : i32
        %dma_start3A_624 = arith.constant 0 : i32
        %dma_start3A_625 = tpu.memref_slice %arg2[%dma_start3A_623, %dma_start3A_624] : memref<1000000x64xf32, #tpu.memory_space<hbm>> -> memref<1000000x64xf32, #tpu.memory_space<hbm>>
        tpu.enqueue_indirect_dma source(%dma_start3A_625 : memref<1000000x64xf32, #tpu.memory_space<hbm>>) target(%dma_start3A_619 : memref<128x64xf32, #tpu.memory_space<vmem>>) offsets(%dma_start3A_622 : memref<128xi32, #tpu.memory_space<vmem>>) semaphore(%arg11 : memref<!tpu.dma_semaphore, #tpu.memory_space<semaphore_mem>>)
        %mul3A_626 = arith.constant 128 : i32
        %mul3A_627 = arith.muli %add3A_594, %mul3A_626 : i32
        %add3A_628 = arith.addi %mul3A_2, %mul3A_627 : i32
        %dma_wait3A_629 = arith.constant 1 : i32
        %dma_wait3A_630 = arith.constant 0 : i32
        %dma_wait3A_631 = arith.constant 0 : i32
        %dma_wait3A_632 = tpu.memref_slice %arg6[%dma_wait3A_629, %dma_wait3A_630, %dma_wait3A_631] : memref<2x128x64xf32, #tpu.memory_space<vmem>> -> memref<1x128x64xf32, #tpu.memory_space<vmem>>
        %dma_wait3A_633 = tpu.memref_squeeze %dma_wait3A_632 : memref<1x128x64xf32, #tpu.memory_space<vmem>> -> memref<128x64xf32, #tpu.memory_space<vmem>>
        %dma_wait3A_634 = arith.constant 64 : i32
        %dma_wait3A_635 = tpu.memref_slice %arg4[%add3A_628, %dma_wait3A_634] : memref<409600x128xf32, #tpu.memory_space<hbm>> -> memref<128x64xf32, #tpu.memory_space<hbm>>
        %dma_wait3A_636 = arith.constant 64 : i32
        %dma_wait3A_637 = tpu.memref_slice %arg4[%add3A_628, %dma_wait3A_636] : memref<409600x128xf32, #tpu.memory_space<hbm>> -> memref<128x64xf32, #tpu.memory_space<hbm>>
        %dma_wait3A_638 = arith.constant 0 : i32
        %dma_wait3A_639 = arith.constant 0 : i32
        %dma_wait3A_640 = tpu.memref_slice %arg6[%dma_wait3A_629, %dma_wait3A_638, %dma_wait3A_639] : memref<2x128x64xf32, #tpu.memory_space<vmem>> -> memref<1x128x64xf32, #tpu.memory_space<vmem>>
        %dma_wait3A_641 = tpu.memref_squeeze %dma_wait3A_640 : memref<1x128x64xf32, #tpu.memory_space<vmem>> -> memref<128x64xf32, #tpu.memory_space<vmem>>
        tpu.wait_dma2 semaphore(%arg16 : memref<!tpu.dma_semaphore, #tpu.memory_space<semaphore_mem>>) src(%dma_wait3A_641 : memref<128x64xf32, #tpu.memory_space<vmem>>) dst(%dma_wait3A_637 : memref<128x64xf32, #tpu.memory_space<hbm>>)
        %add3A_642 = arith.constant 5 : i32
        %add3A_643 = arith.addi %add3A_594, %add3A_642 : i32
        %mul3A_644 = arith.constant 2 : i32
        %mul3A_645 = arith.muli %mul3A_644, %add3A_643 : i32
        %add3A_646 = arith.constant 1 : i32
        %add3A_647 = arith.addi %mul3A_645, %add3A_646 : i32
        %dma_start3A_648 = arith.constant 1 : i32
        %dma_start3A_649 = arith.constant 0 : i32
        %dma_start3A_650 = arith.constant 0 : i32
        %dma_start3A_651 = tpu.memref_slice %arg6[%dma_start3A_648, %dma_start3A_649, %dma_start3A_650] : memref<2x128x64xf32, #tpu.memory_space<vmem>> -> memref<1x128x64xf32, #tpu.memory_space<vmem>>
        %dma_start3A_652 = tpu.memref_squeeze %dma_start3A_651 : memref<1x128x64xf32, #tpu.memory_space<vmem>> -> memref<128x64xf32, #tpu.memory_space<vmem>>
        %dma_start3A_653 = arith.constant 0 : i32
        %dma_start3A_654 = tpu.memref_slice %arg5[%add3A_647, %dma_start3A_653] : memref<200x128xi32, #tpu.memory_space<vmem>> -> memref<1x128xi32, #tpu.memory_space<vmem>>
        %dma_start3A_655 = tpu.memref_squeeze %dma_start3A_654 : memref<1x128xi32, #tpu.memory_space<vmem>> -> memref<128xi32, #tpu.memory_space<vmem>>
        %dma_start3A_656 = arith.constant 0 : i32
        %dma_start3A_657 = arith.constant 0 : i32
        %dma_start3A_658 = tpu.memref_slice %arg2[%dma_start3A_656, %dma_start3A_657] : memref<1000000x64xf32, #tpu.memory_space<hbm>> -> memref<1000000x64xf32, #tpu.memory_space<hbm>>
        tpu.enqueue_indirect_dma source(%dma_start3A_658 : memref<1000000x64xf32, #tpu.memory_space<hbm>>) target(%dma_start3A_652 : memref<128x64xf32, #tpu.memory_space<vmem>>) offsets(%dma_start3A_655 : memref<128xi32, #tpu.memory_space<vmem>>) semaphore(%arg16 : memref<!tpu.dma_semaphore, #tpu.memory_space<semaphore_mem>>)
        %add3A_659 = arith.constant 1 : i32
        %add3A_660 = arith.addi %mul3A_278, %add3A_659 : i32
        %mul3A_661 = arith.constant 128 : i32
        %mul3A_662 = arith.muli %add3A_660, %mul3A_661 : i32
        %add3A_663 = arith.addi %mul3A_2, %mul3A_662 : i32
        %dma_wait3A_664 = arith.constant 0 : i32
        %dma_wait3A_665 = arith.constant 0 : i32
        %dma_wait3A_666 = arith.constant 0 : i32
        %dma_wait3A_667 = tpu.memref_slice %arg7[%dma_wait3A_664, %dma_wait3A_665, %dma_wait3A_666] : memref<2x128x64xf32, #tpu.memory_space<vmem>> -> memref<1x128x64xf32, #tpu.memory_space<vmem>>
        %dma_wait3A_668 = tpu.memref_squeeze %dma_wait3A_667 : memref<1x128x64xf32, #tpu.memory_space<vmem>> -> memref<128x64xf32, #tpu.memory_space<vmem>>
        %dma_wait3A_669 = arith.constant 0 : i32
        %dma_wait3A_670 = tpu.memref_slice %arg4[%add3A_663, %dma_wait3A_669] : memref<409600x128xf32, #tpu.memory_space<hbm>> -> memref<128x64xf32, #tpu.memory_space<hbm>>
        %dma_wait3A_671 = arith.constant 0 : i32
        %dma_wait3A_672 = tpu.memref_slice %arg4[%add3A_663, %dma_wait3A_671] : memref<409600x128xf32, #tpu.memory_space<hbm>> -> memref<128x64xf32, #tpu.memory_space<hbm>>
        %dma_wait3A_673 = arith.constant 0 : i32
        %dma_wait3A_674 = arith.constant 0 : i32
        %dma_wait3A_675 = tpu.memref_slice %arg7[%dma_wait3A_664, %dma_wait3A_673, %dma_wait3A_674] : memref<2x128x64xf32, #tpu.memory_space<vmem>> -> memref<1x128x64xf32, #tpu.memory_space<vmem>>
        %dma_wait3A_676 = tpu.memref_squeeze %dma_wait3A_675 : memref<1x128x64xf32, #tpu.memory_space<vmem>> -> memref<128x64xf32, #tpu.memory_space<vmem>>
        tpu.wait_dma2 semaphore(%arg12 : memref<!tpu.dma_semaphore, #tpu.memory_space<semaphore_mem>>) src(%dma_wait3A_676 : memref<128x64xf32, #tpu.memory_space<vmem>>) dst(%dma_wait3A_672 : memref<128x64xf32, #tpu.memory_space<hbm>>)
        %add3A_677 = arith.constant 5 : i32
        %add3A_678 = arith.addi %add3A_660, %add3A_677 : i32
        %mul3A_679 = arith.constant 2 : i32
        %mul3A_680 = arith.muli %mul3A_679, %add3A_678 : i32
        %dma_start3A_681 = arith.constant 0 : i32
        %dma_start3A_682 = arith.constant 0 : i32
        %dma_start3A_683 = arith.constant 0 : i32
        %dma_start3A_684 = tpu.memref_slice %arg7[%dma_start3A_681, %dma_start3A_682, %dma_start3A_683] : memref<2x128x64xf32, #tpu.memory_space<vmem>> -> memref<1x128x64xf32, #tpu.memory_space<vmem>>
        %dma_start3A_685 = tpu.memref_squeeze %dma_start3A_684 : memref<1x128x64xf32, #tpu.memory_space<vmem>> -> memref<128x64xf32, #tpu.memory_space<vmem>>
        %dma_start3A_686 = arith.constant 0 : i32
        %dma_start3A_687 = tpu.memref_slice %arg5[%mul3A_680, %dma_start3A_686] : memref<200x128xi32, #tpu.memory_space<vmem>> -> memref<1x128xi32, #tpu.memory_space<vmem>>
        %dma_start3A_688 = tpu.memref_squeeze %dma_start3A_687 : memref<1x128xi32, #tpu.memory_space<vmem>> -> memref<128xi32, #tpu.memory_space<vmem>>
        %dma_start3A_689 = arith.constant 0 : i32
        %dma_start3A_690 = arith.constant 0 : i32
        %dma_start3A_691 = tpu.memref_slice %arg2[%dma_start3A_689, %dma_start3A_690] : memref<1000000x64xf32, #tpu.memory_space<hbm>> -> memref<1000000x64xf32, #tpu.memory_space<hbm>>
        tpu.enqueue_indirect_dma source(%dma_start3A_691 : memref<1000000x64xf32, #tpu.memory_space<hbm>>) target(%dma_start3A_685 : memref<128x64xf32, #tpu.memory_space<vmem>>) offsets(%dma_start3A_688 : memref<128xi32, #tpu.memory_space<vmem>>) semaphore(%arg12 : memref<!tpu.dma_semaphore, #tpu.memory_space<semaphore_mem>>)
        %mul3A_692 = arith.constant 128 : i32
        %mul3A_693 = arith.muli %add3A_660, %mul3A_692 : i32
        %add3A_694 = arith.addi %mul3A_2, %mul3A_693 : i32
        %dma_wait3A_695 = arith.constant 1 : i32
        %dma_wait3A_696 = arith.constant 0 : i32
        %dma_wait3A_697 = arith.constant 0 : i32
        %dma_wait3A_698 = tpu.memref_slice %arg7[%dma_wait3A_695, %dma_wait3A_696, %dma_wait3A_697] : memref<2x128x64xf32, #tpu.memory_space<vmem>> -> memref<1x128x64xf32, #tpu.memory_space<vmem>>
        %dma_wait3A_699 = tpu.memref_squeeze %dma_wait3A_698 : memref<1x128x64xf32, #tpu.memory_space<vmem>> -> memref<128x64xf32, #tpu.memory_space<vmem>>
        %dma_wait3A_700 = arith.constant 64 : i32
        %dma_wait3A_701 = tpu.memref_slice %arg4[%add3A_694, %dma_wait3A_700] : memref<409600x128xf32, #tpu.memory_space<hbm>> -> memref<128x64xf32, #tpu.memory_space<hbm>>
        %dma_wait3A_702 = arith.constant 64 : i32
        %dma_wait3A_703 = tpu.memref_slice %arg4[%add3A_694, %dma_wait3A_702] : memref<409600x128xf32, #tpu.memory_space<hbm>> -> memref<128x64xf32, #tpu.memory_space<hbm>>
        %dma_wait3A_704 = arith.constant 0 : i32
        %dma_wait3A_705 = arith.constant 0 : i32
        %dma_wait3A_706 = tpu.memref_slice %arg7[%dma_wait3A_695, %dma_wait3A_704, %dma_wait3A_705] : memref<2x128x64xf32, #tpu.memory_space<vmem>> -> memref<1x128x64xf32, #tpu.memory_space<vmem>>
        %dma_wait3A_707 = tpu.memref_squeeze %dma_wait3A_706 : memref<1x128x64xf32, #tpu.memory_space<vmem>> -> memref<128x64xf32, #tpu.memory_space<vmem>>
        tpu.wait_dma2 semaphore(%arg17 : memref<!tpu.dma_semaphore, #tpu.memory_space<semaphore_mem>>) src(%dma_wait3A_707 : memref<128x64xf32, #tpu.memory_space<vmem>>) dst(%dma_wait3A_703 : memref<128x64xf32, #tpu.memory_space<hbm>>)
        %add3A_708 = arith.constant 5 : i32
        %add3A_709 = arith.addi %add3A_660, %add3A_708 : i32
        %mul3A_710 = arith.constant 2 : i32
        %mul3A_711 = arith.muli %mul3A_710, %add3A_709 : i32
        %add3A_712 = arith.constant 1 : i32
        %add3A_713 = arith.addi %mul3A_711, %add3A_712 : i32
        %dma_start3A_714 = arith.constant 1 : i32
        %dma_start3A_715 = arith.constant 0 : i32
        %dma_start3A_716 = arith.constant 0 : i32
        %dma_start3A_717 = tpu.memref_slice %arg7[%dma_start3A_714, %dma_start3A_715, %dma_start3A_716] : memref<2x128x64xf32, #tpu.memory_space<vmem>> -> memref<1x128x64xf32, #tpu.memory_space<vmem>>
        %dma_start3A_718 = tpu.memref_squeeze %dma_start3A_717 : memref<1x128x64xf32, #tpu.memory_space<vmem>> -> memref<128x64xf32, #tpu.memory_space<vmem>>
        %dma_start3A_719 = arith.constant 0 : i32
        %dma_start3A_720 = tpu.memref_slice %arg5[%add3A_713, %dma_start3A_719] : memref<200x128xi32, #tpu.memory_space<vmem>> -> memref<1x128xi32, #tpu.memory_space<vmem>>
        %dma_start3A_721 = tpu.memref_squeeze %dma_start3A_720 : memref<1x128xi32, #tpu.memory_space<vmem>> -> memref<128xi32, #tpu.memory_space<vmem>>
        %dma_start3A_722 = arith.constant 0 : i32
        %dma_start3A_723 = arith.constant 0 : i32
        %dma_start3A_724 = tpu.memref_slice %arg2[%dma_start3A_722, %dma_start3A_723] : memref<1000000x64xf32, #tpu.memory_space<hbm>> -> memref<1000000x64xf32, #tpu.memory_space<hbm>>
        tpu.enqueue_indirect_dma source(%dma_start3A_724 : memref<1000000x64xf32, #tpu.memory_space<hbm>>) target(%dma_start3A_718 : memref<128x64xf32, #tpu.memory_space<vmem>>) offsets(%dma_start3A_721 : memref<128xi32, #tpu.memory_space<vmem>>) semaphore(%arg17 : memref<!tpu.dma_semaphore, #tpu.memory_space<semaphore_mem>>)
        %add3A_725 = arith.constant 2 : i32
        %add3A_726 = arith.addi %mul3A_278, %add3A_725 : i32
        %mul3A_727 = arith.constant 128 : i32
        %mul3A_728 = arith.muli %add3A_726, %mul3A_727 : i32
        %add3A_729 = arith.addi %mul3A_2, %mul3A_728 : i32
        %dma_wait3A_730 = arith.constant 0 : i32
        %dma_wait3A_731 = arith.constant 0 : i32
        %dma_wait3A_732 = arith.constant 0 : i32
        %dma_wait3A_733 = tpu.memref_slice %arg8[%dma_wait3A_730, %dma_wait3A_731, %dma_wait3A_732] : memref<2x128x64xf32, #tpu.memory_space<vmem>> -> memref<1x128x64xf32, #tpu.memory_space<vmem>>
        %dma_wait3A_734 = tpu.memref_squeeze %dma_wait3A_733 : memref<1x128x64xf32, #tpu.memory_space<vmem>> -> memref<128x64xf32, #tpu.memory_space<vmem>>
        %dma_wait3A_735 = arith.constant 0 : i32
        %dma_wait3A_736 = tpu.memref_slice %arg4[%add3A_729, %dma_wait3A_735] : memref<409600x128xf32, #tpu.memory_space<hbm>> -> memref<128x64xf32, #tpu.memory_space<hbm>>
        %dma_wait3A_737 = arith.constant 0 : i32
        %dma_wait3A_738 = tpu.memref_slice %arg4[%add3A_729, %dma_wait3A_737] : memref<409600x128xf32, #tpu.memory_space<hbm>> -> memref<128x64xf32, #tpu.memory_space<hbm>>
        %dma_wait3A_739 = arith.constant 0 : i32
        %dma_wait3A_740 = arith.constant 0 : i32
        %dma_wait3A_741 = tpu.memref_slice %arg8[%dma_wait3A_730, %dma_wait3A_739, %dma_wait3A_740] : memref<2x128x64xf32, #tpu.memory_space<vmem>> -> memref<1x128x64xf32, #tpu.memory_space<vmem>>
        %dma_wait3A_742 = tpu.memref_squeeze %dma_wait3A_741 : memref<1x128x64xf32, #tpu.memory_space<vmem>> -> memref<128x64xf32, #tpu.memory_space<vmem>>
        tpu.wait_dma2 semaphore(%arg13 : memref<!tpu.dma_semaphore, #tpu.memory_space<semaphore_mem>>) src(%dma_wait3A_742 : memref<128x64xf32, #tpu.memory_space<vmem>>) dst(%dma_wait3A_738 : memref<128x64xf32, #tpu.memory_space<hbm>>)
        %add3A_743 = arith.constant 5 : i32
        %add3A_744 = arith.addi %add3A_726, %add3A_743 : i32
        %mul3A_745 = arith.constant 2 : i32
        %mul3A_746 = arith.muli %mul3A_745, %add3A_744 : i32
        %dma_start3A_747 = arith.constant 0 : i32
        %dma_start3A_748 = arith.constant 0 : i32
        %dma_start3A_749 = arith.constant 0 : i32
        %dma_start3A_750 = tpu.memref_slice %arg8[%dma_start3A_747, %dma_start3A_748, %dma_start3A_749] : memref<2x128x64xf32, #tpu.memory_space<vmem>> -> memref<1x128x64xf32, #tpu.memory_space<vmem>>
        %dma_start3A_751 = tpu.memref_squeeze %dma_start3A_750 : memref<1x128x64xf32, #tpu.memory_space<vmem>> -> memref<128x64xf32, #tpu.memory_space<vmem>>
        %dma_start3A_752 = arith.constant 0 : i32
        %dma_start3A_753 = tpu.memref_slice %arg5[%mul3A_746, %dma_start3A_752] : memref<200x128xi32, #tpu.memory_space<vmem>> -> memref<1x128xi32, #tpu.memory_space<vmem>>
        %dma_start3A_754 = tpu.memref_squeeze %dma_start3A_753 : memref<1x128xi32, #tpu.memory_space<vmem>> -> memref<128xi32, #tpu.memory_space<vmem>>
        %dma_start3A_755 = arith.constant 0 : i32
        %dma_start3A_756 = arith.constant 0 : i32
        %dma_start3A_757 = tpu.memref_slice %arg2[%dma_start3A_755, %dma_start3A_756] : memref<1000000x64xf32, #tpu.memory_space<hbm>> -> memref<1000000x64xf32, #tpu.memory_space<hbm>>
        tpu.enqueue_indirect_dma source(%dma_start3A_757 : memref<1000000x64xf32, #tpu.memory_space<hbm>>) target(%dma_start3A_751 : memref<128x64xf32, #tpu.memory_space<vmem>>) offsets(%dma_start3A_754 : memref<128xi32, #tpu.memory_space<vmem>>) semaphore(%arg13 : memref<!tpu.dma_semaphore, #tpu.memory_space<semaphore_mem>>)
        %mul3A_758 = arith.constant 128 : i32
        %mul3A_759 = arith.muli %add3A_726, %mul3A_758 : i32
        %add3A_760 = arith.addi %mul3A_2, %mul3A_759 : i32
        %dma_wait3A_761 = arith.constant 1 : i32
        %dma_wait3A_762 = arith.constant 0 : i32
        %dma_wait3A_763 = arith.constant 0 : i32
        %dma_wait3A_764 = tpu.memref_slice %arg8[%dma_wait3A_761, %dma_wait3A_762, %dma_wait3A_763] : memref<2x128x64xf32, #tpu.memory_space<vmem>> -> memref<1x128x64xf32, #tpu.memory_space<vmem>>
        %dma_wait3A_765 = tpu.memref_squeeze %dma_wait3A_764 : memref<1x128x64xf32, #tpu.memory_space<vmem>> -> memref<128x64xf32, #tpu.memory_space<vmem>>
        %dma_wait3A_766 = arith.constant 64 : i32
        %dma_wait3A_767 = tpu.memref_slice %arg4[%add3A_760, %dma_wait3A_766] : memref<409600x128xf32, #tpu.memory_space<hbm>> -> memref<128x64xf32, #tpu.memory_space<hbm>>
        %dma_wait3A_768 = arith.constant 64 : i32
        %dma_wait3A_769 = tpu.memref_slice %arg4[%add3A_760, %dma_wait3A_768] : memref<409600x128xf32, #tpu.memory_space<hbm>> -> memref<128x64xf32, #tpu.memory_space<hbm>>
        %dma_wait3A_770 = arith.constant 0 : i32
        %dma_wait3A_771 = arith.constant 0 : i32
        %dma_wait3A_772 = tpu.memref_slice %arg8[%dma_wait3A_761, %dma_wait3A_770, %dma_wait3A_771] : memref<2x128x64xf32, #tpu.memory_space<vmem>> -> memref<1x128x64xf32, #tpu.memory_space<vmem>>
        %dma_wait3A_773 = tpu.memref_squeeze %dma_wait3A_772 : memref<1x128x64xf32, #tpu.memory_space<vmem>> -> memref<128x64xf32, #tpu.memory_space<vmem>>
        tpu.wait_dma2 semaphore(%arg18 : memref<!tpu.dma_semaphore, #tpu.memory_space<semaphore_mem>>) src(%dma_wait3A_773 : memref<128x64xf32, #tpu.memory_space<vmem>>) dst(%dma_wait3A_769 : memref<128x64xf32, #tpu.memory_space<hbm>>)
        %add3A_774 = arith.constant 5 : i32
        %add3A_775 = arith.addi %add3A_726, %add3A_774 : i32
        %mul3A_776 = arith.constant 2 : i32
        %mul3A_777 = arith.muli %mul3A_776, %add3A_775 : i32
        %add3A_778 = arith.constant 1 : i32
        %add3A_779 = arith.addi %mul3A_777, %add3A_778 : i32
        %dma_start3A_780 = arith.constant 1 : i32
        %dma_start3A_781 = arith.constant 0 : i32
        %dma_start3A_782 = arith.constant 0 : i32
        %dma_start3A_783 = tpu.memref_slice %arg8[%dma_start3A_780, %dma_start3A_781, %dma_start3A_782] : memref<2x128x64xf32, #tpu.memory_space<vmem>> -> memref<1x128x64xf32, #tpu.memory_space<vmem>>
        %dma_start3A_784 = tpu.memref_squeeze %dma_start3A_783 : memref<1x128x64xf32, #tpu.memory_space<vmem>> -> memref<128x64xf32, #tpu.memory_space<vmem>>
        %dma_start3A_785 = arith.constant 0 : i32
        %dma_start3A_786 = tpu.memref_slice %arg5[%add3A_779, %dma_start3A_785] : memref<200x128xi32, #tpu.memory_space<vmem>> -> memref<1x128xi32, #tpu.memory_space<vmem>>
        %dma_start3A_787 = tpu.memref_squeeze %dma_start3A_786 : memref<1x128xi32, #tpu.memory_space<vmem>> -> memref<128xi32, #tpu.memory_space<vmem>>
        %dma_start3A_788 = arith.constant 0 : i32
        %dma_start3A_789 = arith.constant 0 : i32
        %dma_start3A_790 = tpu.memref_slice %arg2[%dma_start3A_788, %dma_start3A_789] : memref<1000000x64xf32, #tpu.memory_space<hbm>> -> memref<1000000x64xf32, #tpu.memory_space<hbm>>
        tpu.enqueue_indirect_dma source(%dma_start3A_790 : memref<1000000x64xf32, #tpu.memory_space<hbm>>) target(%dma_start3A_784 : memref<128x64xf32, #tpu.memory_space<vmem>>) offsets(%dma_start3A_787 : memref<128xi32, #tpu.memory_space<vmem>>) semaphore(%arg18 : memref<!tpu.dma_semaphore, #tpu.memory_space<semaphore_mem>>)
        %add3A_791 = arith.constant 3 : i32
        %add3A_792 = arith.addi %mul3A_278, %add3A_791 : i32
        %mul3A_793 = arith.constant 128 : i32
        %mul3A_794 = arith.muli %add3A_792, %mul3A_793 : i32
        %add3A_795 = arith.addi %mul3A_2, %mul3A_794 : i32
        %dma_wait3A_796 = arith.constant 0 : i32
        %dma_wait3A_797 = arith.constant 0 : i32
        %dma_wait3A_798 = arith.constant 0 : i32
        %dma_wait3A_799 = tpu.memref_slice %arg9[%dma_wait3A_796, %dma_wait3A_797, %dma_wait3A_798] : memref<2x128x64xf32, #tpu.memory_space<vmem>> -> memref<1x128x64xf32, #tpu.memory_space<vmem>>
        %dma_wait3A_800 = tpu.memref_squeeze %dma_wait3A_799 : memref<1x128x64xf32, #tpu.memory_space<vmem>> -> memref<128x64xf32, #tpu.memory_space<vmem>>
        %dma_wait3A_801 = arith.constant 0 : i32
        %dma_wait3A_802 = tpu.memref_slice %arg4[%add3A_795, %dma_wait3A_801] : memref<409600x128xf32, #tpu.memory_space<hbm>> -> memref<128x64xf32, #tpu.memory_space<hbm>>
        %dma_wait3A_803 = arith.constant 0 : i32
        %dma_wait3A_804 = tpu.memref_slice %arg4[%add3A_795, %dma_wait3A_803] : memref<409600x128xf32, #tpu.memory_space<hbm>> -> memref<128x64xf32, #tpu.memory_space<hbm>>
        %dma_wait3A_805 = arith.constant 0 : i32
        %dma_wait3A_806 = arith.constant 0 : i32
        %dma_wait3A_807 = tpu.memref_slice %arg9[%dma_wait3A_796, %dma_wait3A_805, %dma_wait3A_806] : memref<2x128x64xf32, #tpu.memory_space<vmem>> -> memref<1x128x64xf32, #tpu.memory_space<vmem>>
        %dma_wait3A_808 = tpu.memref_squeeze %dma_wait3A_807 : memref<1x128x64xf32, #tpu.memory_space<vmem>> -> memref<128x64xf32, #tpu.memory_space<vmem>>
        tpu.wait_dma2 semaphore(%arg14 : memref<!tpu.dma_semaphore, #tpu.memory_space<semaphore_mem>>) src(%dma_wait3A_808 : memref<128x64xf32, #tpu.memory_space<vmem>>) dst(%dma_wait3A_804 : memref<128x64xf32, #tpu.memory_space<hbm>>)
        %add3A_809 = arith.constant 5 : i32
        %add3A_810 = arith.addi %add3A_792, %add3A_809 : i32
        %mul3A_811 = arith.constant 2 : i32
        %mul3A_812 = arith.muli %mul3A_811, %add3A_810 : i32
        %dma_start3A_813 = arith.constant 0 : i32
        %dma_start3A_814 = arith.constant 0 : i32
        %dma_start3A_815 = arith.constant 0 : i32
        %dma_start3A_816 = tpu.memref_slice %arg9[%dma_start3A_813, %dma_start3A_814, %dma_start3A_815] : memref<2x128x64xf32, #tpu.memory_space<vmem>> -> memref<1x128x64xf32, #tpu.memory_space<vmem>>
        %dma_start3A_817 = tpu.memref_squeeze %dma_start3A_816 : memref<1x128x64xf32, #tpu.memory_space<vmem>> -> memref<128x64xf32, #tpu.memory_space<vmem>>
        %dma_start3A_818 = arith.constant 0 : i32
        %dma_start3A_819 = tpu.memref_slice %arg5[%mul3A_812, %dma_start3A_818] : memref<200x128xi32, #tpu.memory_space<vmem>> -> memref<1x128xi32, #tpu.memory_space<vmem>>
        %dma_start3A_820 = tpu.memref_squeeze %dma_start3A_819 : memref<1x128xi32, #tpu.memory_space<vmem>> -> memref<128xi32, #tpu.memory_space<vmem>>
        %dma_start3A_821 = arith.constant 0 : i32
        %dma_start3A_822 = arith.constant 0 : i32
        %dma_start3A_823 = tpu.memref_slice %arg2[%dma_start3A_821, %dma_start3A_822] : memref<1000000x64xf32, #tpu.memory_space<hbm>> -> memref<1000000x64xf32, #tpu.memory_space<hbm>>
        tpu.enqueue_indirect_dma source(%dma_start3A_823 : memref<1000000x64xf32, #tpu.memory_space<hbm>>) target(%dma_start3A_817 : memref<128x64xf32, #tpu.memory_space<vmem>>) offsets(%dma_start3A_820 : memref<128xi32, #tpu.memory_space<vmem>>) semaphore(%arg14 : memref<!tpu.dma_semaphore, #tpu.memory_space<semaphore_mem>>)
        %mul3A_824 = arith.constant 128 : i32
        %mul3A_825 = arith.muli %add3A_792, %mul3A_824 : i32
        %add3A_826 = arith.addi %mul3A_2, %mul3A_825 : i32
        %dma_wait3A_827 = arith.constant 1 : i32
        %dma_wait3A_828 = arith.constant 0 : i32
        %dma_wait3A_829 = arith.constant 0 : i32
        %dma_wait3A_830 = tpu.memref_slice %arg9[%dma_wait3A_827, %dma_wait3A_828, %dma_wait3A_829] : memref<2x128x64xf32, #tpu.memory_space<vmem>> -> memref<1x128x64xf32, #tpu.memory_space<vmem>>
        %dma_wait3A_831 = tpu.memref_squeeze %dma_wait3A_830 : memref<1x128x64xf32, #tpu.memory_space<vmem>> -> memref<128x64xf32, #tpu.memory_space<vmem>>
        %dma_wait3A_832 = arith.constant 64 : i32
        %dma_wait3A_833 = tpu.memref_slice %arg4[%add3A_826, %dma_wait3A_832] : memref<409600x128xf32, #tpu.memory_space<hbm>> -> memref<128x64xf32, #tpu.memory_space<hbm>>
        %dma_wait3A_834 = arith.constant 64 : i32
        %dma_wait3A_835 = tpu.memref_slice %arg4[%add3A_826, %dma_wait3A_834] : memref<409600x128xf32, #tpu.memory_space<hbm>> -> memref<128x64xf32, #tpu.memory_space<hbm>>
        %dma_wait3A_836 = arith.constant 0 : i32
        %dma_wait3A_837 = arith.constant 0 : i32
        %dma_wait3A_838 = tpu.memref_slice %arg9[%dma_wait3A_827, %dma_wait3A_836, %dma_wait3A_837] : memref<2x128x64xf32, #tpu.memory_space<vmem>> -> memref<1x128x64xf32, #tpu.memory_space<vmem>>
        %dma_wait3A_839 = tpu.memref_squeeze %dma_wait3A_838 : memref<1x128x64xf32, #tpu.memory_space<vmem>> -> memref<128x64xf32, #tpu.memory_space<vmem>>
        tpu.wait_dma2 semaphore(%arg19 : memref<!tpu.dma_semaphore, #tpu.memory_space<semaphore_mem>>) src(%dma_wait3A_839 : memref<128x64xf32, #tpu.memory_space<vmem>>) dst(%dma_wait3A_835 : memref<128x64xf32, #tpu.memory_space<hbm>>)
        %add3A_840 = arith.constant 5 : i32
        %add3A_841 = arith.addi %add3A_792, %add3A_840 : i32
        %mul3A_842 = arith.constant 2 : i32
        %mul3A_843 = arith.muli %mul3A_842, %add3A_841 : i32
        %add3A_844 = arith.constant 1 : i32
        %add3A_845 = arith.addi %mul3A_843, %add3A_844 : i32
        %dma_start3A_846 = arith.constant 1 : i32
        %dma_start3A_847 = arith.constant 0 : i32
        %dma_start3A_848 = arith.constant 0 : i32
        %dma_start3A_849 = tpu.memref_slice %arg9[%dma_start3A_846, %dma_start3A_847, %dma_start3A_848] : memref<2x128x64xf32, #tpu.memory_space<vmem>> -> memref<1x128x64xf32, #tpu.memory_space<vmem>>
        %dma_start3A_850 = tpu.memref_squeeze %dma_start3A_849 : memref<1x128x64xf32, #tpu.memory_space<vmem>> -> memref<128x64xf32, #tpu.memory_space<vmem>>
        %dma_start3A_851 = arith.constant 0 : i32
        %dma_start3A_852 = tpu.memref_slice %arg5[%add3A_845, %dma_start3A_851] : memref<200x128xi32, #tpu.memory_space<vmem>> -> memref<1x128xi32, #tpu.memory_space<vmem>>
        %dma_start3A_853 = tpu.memref_squeeze %dma_start3A_852 : memref<1x128xi32, #tpu.memory_space<vmem>> -> memref<128xi32, #tpu.memory_space<vmem>>
        %dma_start3A_854 = arith.constant 0 : i32
        %dma_start3A_855 = arith.constant 0 : i32
        %dma_start3A_856 = tpu.memref_slice %arg2[%dma_start3A_854, %dma_start3A_855] : memref<1000000x64xf32, #tpu.memory_space<hbm>> -> memref<1000000x64xf32, #tpu.memory_space<hbm>>
        tpu.enqueue_indirect_dma source(%dma_start3A_856 : memref<1000000x64xf32, #tpu.memory_space<hbm>>) target(%dma_start3A_850 : memref<128x64xf32, #tpu.memory_space<vmem>>) offsets(%dma_start3A_853 : memref<128xi32, #tpu.memory_space<vmem>>) semaphore(%arg19 : memref<!tpu.dma_semaphore, #tpu.memory_space<semaphore_mem>>)
        %add3A_857 = arith.constant 4 : i32
        %add3A_858 = arith.addi %mul3A_278, %add3A_857 : i32
        %mul3A_859 = arith.constant 128 : i32
        %mul3A_860 = arith.muli %add3A_858, %mul3A_859 : i32
        %add3A_861 = arith.addi %mul3A_2, %mul3A_860 : i32
        %dma_wait3A_862 = arith.constant 0 : i32
        %dma_wait3A_863 = arith.constant 0 : i32
        %dma_wait3A_864 = arith.constant 0 : i32
        %dma_wait3A_865 = tpu.memref_slice %arg10[%dma_wait3A_862, %dma_wait3A_863, %dma_wait3A_864] : memref<2x128x64xf32, #tpu.memory_space<vmem>> -> memref<1x128x64xf32, #tpu.memory_space<vmem>>
        %dma_wait3A_866 = tpu.memref_squeeze %dma_wait3A_865 : memref<1x128x64xf32, #tpu.memory_space<vmem>> -> memref<128x64xf32, #tpu.memory_space<vmem>>
        %dma_wait3A_867 = arith.constant 0 : i32
        %dma_wait3A_868 = tpu.memref_slice %arg4[%add3A_861, %dma_wait3A_867] : memref<409600x128xf32, #tpu.memory_space<hbm>> -> memref<128x64xf32, #tpu.memory_space<hbm>>
        %dma_wait3A_869 = arith.constant 0 : i32
        %dma_wait3A_870 = tpu.memref_slice %arg4[%add3A_861, %dma_wait3A_869] : memref<409600x128xf32, #tpu.memory_space<hbm>> -> memref<128x64xf32, #tpu.memory_space<hbm>>
        %dma_wait3A_871 = arith.constant 0 : i32
        %dma_wait3A_872 = arith.constant 0 : i32
        %dma_wait3A_873 = tpu.memref_slice %arg10[%dma_wait3A_862, %dma_wait3A_871, %dma_wait3A_872] : memref<2x128x64xf32, #tpu.memory_space<vmem>> -> memref<1x128x64xf32, #tpu.memory_space<vmem>>
        %dma_wait3A_874 = tpu.memref_squeeze %dma_wait3A_873 : memref<1x128x64xf32, #tpu.memory_space<vmem>> -> memref<128x64xf32, #tpu.memory_space<vmem>>
        tpu.wait_dma2 semaphore(%arg15 : memref<!tpu.dma_semaphore, #tpu.memory_space<semaphore_mem>>) src(%dma_wait3A_874 : memref<128x64xf32, #tpu.memory_space<vmem>>) dst(%dma_wait3A_870 : memref<128x64xf32, #tpu.memory_space<hbm>>)
        %add3A_875 = arith.constant 5 : i32
        %add3A_876 = arith.addi %add3A_858, %add3A_875 : i32
        %mul3A_877 = arith.constant 2 : i32
        %mul3A_878 = arith.muli %mul3A_877, %add3A_876 : i32
        %dma_start3A_879 = arith.constant 0 : i32
        %dma_start3A_880 = arith.constant 0 : i32
        %dma_start3A_881 = arith.constant 0 : i32
        %dma_start3A_882 = tpu.memref_slice %arg10[%dma_start3A_879, %dma_start3A_880, %dma_start3A_881] : memref<2x128x64xf32, #tpu.memory_space<vmem>> -> memref<1x128x64xf32, #tpu.memory_space<vmem>>
        %dma_start3A_883 = tpu.memref_squeeze %dma_start3A_882 : memref<1x128x64xf32, #tpu.memory_space<vmem>> -> memref<128x64xf32, #tpu.memory_space<vmem>>
        %dma_start3A_884 = arith.constant 0 : i32
        %dma_start3A_885 = tpu.memref_slice %arg5[%mul3A_878, %dma_start3A_884] : memref<200x128xi32, #tpu.memory_space<vmem>> -> memref<1x128xi32, #tpu.memory_space<vmem>>
        %dma_start3A_886 = tpu.memref_squeeze %dma_start3A_885 : memref<1x128xi32, #tpu.memory_space<vmem>> -> memref<128xi32, #tpu.memory_space<vmem>>
        %dma_start3A_887 = arith.constant 0 : i32
        %dma_start3A_888 = arith.constant 0 : i32
        %dma_start3A_889 = tpu.memref_slice %arg2[%dma_start3A_887, %dma_start3A_888] : memref<1000000x64xf32, #tpu.memory_space<hbm>> -> memref<1000000x64xf32, #tpu.memory_space<hbm>>
        tpu.enqueue_indirect_dma source(%dma_start3A_889 : memref<1000000x64xf32, #tpu.memory_space<hbm>>) target(%dma_start3A_883 : memref<128x64xf32, #tpu.memory_space<vmem>>) offsets(%dma_start3A_886 : memref<128xi32, #tpu.memory_space<vmem>>) semaphore(%arg15 : memref<!tpu.dma_semaphore, #tpu.memory_space<semaphore_mem>>)
        %mul3A_890 = arith.constant 128 : i32
        %mul3A_891 = arith.muli %add3A_858, %mul3A_890 : i32
        %add3A_892 = arith.addi %mul3A_2, %mul3A_891 : i32
        %dma_wait3A_893 = arith.constant 1 : i32
        %dma_wait3A_894 = arith.constant 0 : i32
        %dma_wait3A_895 = arith.constant 0 : i32
        %dma_wait3A_896 = tpu.memref_slice %arg10[%dma_wait3A_893, %dma_wait3A_894, %dma_wait3A_895] : memref<2x128x64xf32, #tpu.memory_space<vmem>> -> memref<1x128x64xf32, #tpu.memory_space<vmem>>
        %dma_wait3A_897 = tpu.memref_squeeze %dma_wait3A_896 : memref<1x128x64xf32, #tpu.memory_space<vmem>> -> memref<128x64xf32, #tpu.memory_space<vmem>>
        %dma_wait3A_898 = arith.constant 64 : i32
        %dma_wait3A_899 = tpu.memref_slice %arg4[%add3A_892, %dma_wait3A_898] : memref<409600x128xf32, #tpu.memory_space<hbm>> -> memref<128x64xf32, #tpu.memory_space<hbm>>
        %dma_wait3A_900 = arith.constant 64 : i32
        %dma_wait3A_901 = tpu.memref_slice %arg4[%add3A_892, %dma_wait3A_900] : memref<409600x128xf32, #tpu.memory_space<hbm>> -> memref<128x64xf32, #tpu.memory_space<hbm>>
        %dma_wait3A_902 = arith.constant 0 : i32
        %dma_wait3A_903 = arith.constant 0 : i32
        %dma_wait3A_904 = tpu.memref_slice %arg10[%dma_wait3A_893, %dma_wait3A_902, %dma_wait3A_903] : memref<2x128x64xf32, #tpu.memory_space<vmem>> -> memref<1x128x64xf32, #tpu.memory_space<vmem>>
        %dma_wait3A_905 = tpu.memref_squeeze %dma_wait3A_904 : memref<1x128x64xf32, #tpu.memory_space<vmem>> -> memref<128x64xf32, #tpu.memory_space<vmem>>
        tpu.wait_dma2 semaphore(%arg20 : memref<!tpu.dma_semaphore, #tpu.memory_space<semaphore_mem>>) src(%dma_wait3A_905 : memref<128x64xf32, #tpu.memory_space<vmem>>) dst(%dma_wait3A_901 : memref<128x64xf32, #tpu.memory_space<hbm>>)
        %add3A_906 = arith.constant 5 : i32
        %add3A_907 = arith.addi %add3A_858, %add3A_906 : i32
        %mul3A_908 = arith.constant 2 : i32
        %mul3A_909 = arith.muli %mul3A_908, %add3A_907 : i32
        %add3A_910 = arith.constant 1 : i32
        %add3A_911 = arith.addi %mul3A_909, %add3A_910 : i32
        %dma_start3A_912 = arith.constant 1 : i32
        %dma_start3A_913 = arith.constant 0 : i32
        %dma_start3A_914 = arith.constant 0 : i32
        %dma_start3A_915 = tpu.memref_slice %arg10[%dma_start3A_912, %dma_start3A_913, %dma_start3A_914] : memref<2x128x64xf32, #tpu.memory_space<vmem>> -> memref<1x128x64xf32, #tpu.memory_space<vmem>>
        %dma_start3A_916 = tpu.memref_squeeze %dma_start3A_915 : memref<1x128x64xf32, #tpu.memory_space<vmem>> -> memref<128x64xf32, #tpu.memory_space<vmem>>
        %dma_start3A_917 = arith.constant 0 : i32
        %dma_start3A_918 = tpu.memref_slice %arg5[%add3A_911, %dma_start3A_917] : memref<200x128xi32, #tpu.memory_space<vmem>> -> memref<1x128xi32, #tpu.memory_space<vmem>>
        %dma_start3A_919 = tpu.memref_squeeze %dma_start3A_918 : memref<1x128xi32, #tpu.memory_space<vmem>> -> memref<128xi32, #tpu.memory_space<vmem>>
        %dma_start3A_920 = arith.constant 0 : i32
        %dma_start3A_921 = arith.constant 0 : i32
        %dma_start3A_922 = tpu.memref_slice %arg2[%dma_start3A_920, %dma_start3A_921] : memref<1000000x64xf32, #tpu.memory_space<hbm>> -> memref<1000000x64xf32, #tpu.memory_space<hbm>>
        tpu.enqueue_indirect_dma source(%dma_start3A_922 : memref<1000000x64xf32, #tpu.memory_space<hbm>>) target(%dma_start3A_916 : memref<128x64xf32, #tpu.memory_space<vmem>>) offsets(%dma_start3A_919 : memref<128xi32, #tpu.memory_space<vmem>>) semaphore(%arg20 : memref<!tpu.dma_semaphore, #tpu.memory_space<semaphore_mem>>)
      } else {
      }
    }
    %scan3A_126 = arith.constant 20 : i32
    %add3A_127 = arith.constant 12160 : i32
    %add3A_128 = arith.addi %mul3A_2, %add3A_127 : i32
    %dma_wait3A = arith.constant 0 : i32
    %dma_wait3A_129 = arith.constant 0 : i32
    %dma_wait3A_130 = arith.constant 0 : i32
    %dma_wait3A_131 = tpu.memref_slice %arg6[%dma_wait3A, %dma_wait3A_129, %dma_wait3A_130] : memref<2x128x64xf32, #tpu.memory_space<vmem>> -> memref<1x128x64xf32, #tpu.memory_space<vmem>>
    %dma_wait3A_132 = tpu.memref_squeeze %dma_wait3A_131 : memref<1x128x64xf32, #tpu.memory_space<vmem>> -> memref<128x64xf32, #tpu.memory_space<vmem>>
    %dma_wait3A_133 = arith.constant 0 : i32
    %dma_wait3A_134 = tpu.memref_slice %arg4[%add3A_128, %dma_wait3A_133] : memref<409600x128xf32, #tpu.memory_space<hbm>> -> memref<128x64xf32, #tpu.memory_space<hbm>>
    %dma_wait3A_135 = arith.constant 0 : i32
    %dma_wait3A_136 = tpu.memref_slice %arg4[%add3A_128, %dma_wait3A_135] : memref<409600x128xf32, #tpu.memory_space<hbm>> -> memref<128x64xf32, #tpu.memory_space<hbm>>
    %dma_wait3A_137 = arith.constant 0 : i32
    %dma_wait3A_138 = arith.constant 0 : i32
    %dma_wait3A_139 = tpu.memref_slice %arg6[%dma_wait3A, %dma_wait3A_137, %dma_wait3A_138] : memref<2x128x64xf32, #tpu.memory_space<vmem>> -> memref<1x128x64xf32, #tpu.memory_space<vmem>>
    %dma_wait3A_140 = tpu.memref_squeeze %dma_wait3A_139 : memref<1x128x64xf32, #tpu.memory_space<vmem>> -> memref<128x64xf32, #tpu.memory_space<vmem>>
    tpu.wait_dma2 semaphore(%arg11 : memref<!tpu.dma_semaphore, #tpu.memory_space<semaphore_mem>>) src(%dma_wait3A_140 : memref<128x64xf32, #tpu.memory_space<vmem>>) dst(%dma_wait3A_136 : memref<128x64xf32, #tpu.memory_space<hbm>>)
    %add3A_141 = arith.constant 12160 : i32
    %add3A_142 = arith.addi %mul3A_2, %add3A_141 : i32
    %dma_wait3A_143 = arith.constant 1 : i32
    %dma_wait3A_144 = arith.constant 0 : i32
    %dma_wait3A_145 = arith.constant 0 : i32
    %dma_wait3A_146 = tpu.memref_slice %arg6[%dma_wait3A_143, %dma_wait3A_144, %dma_wait3A_145] : memref<2x128x64xf32, #tpu.memory_space<vmem>> -> memref<1x128x64xf32, #tpu.memory_space<vmem>>
    %dma_wait3A_147 = tpu.memref_squeeze %dma_wait3A_146 : memref<1x128x64xf32, #tpu.memory_space<vmem>> -> memref<128x64xf32, #tpu.memory_space<vmem>>
    %dma_wait3A_148 = arith.constant 64 : i32
    %dma_wait3A_149 = tpu.memref_slice %arg4[%add3A_142, %dma_wait3A_148] : memref<409600x128xf32, #tpu.memory_space<hbm>> -> memref<128x64xf32, #tpu.memory_space<hbm>>
    %dma_wait3A_150 = arith.constant 64 : i32
    %dma_wait3A_151 = tpu.memref_slice %arg4[%add3A_142, %dma_wait3A_150] : memref<409600x128xf32, #tpu.memory_space<hbm>> -> memref<128x64xf32, #tpu.memory_space<hbm>>
    %dma_wait3A_152 = arith.constant 0 : i32
    %dma_wait3A_153 = arith.constant 0 : i32
    %dma_wait3A_154 = tpu.memref_slice %arg6[%dma_wait3A_143, %dma_wait3A_152, %dma_wait3A_153] : memref<2x128x64xf32, #tpu.memory_space<vmem>> -> memref<1x128x64xf32, #tpu.memory_space<vmem>>
    %dma_wait3A_155 = tpu.memref_squeeze %dma_wait3A_154 : memref<1x128x64xf32, #tpu.memory_space<vmem>> -> memref<128x64xf32, #tpu.memory_space<vmem>>
    tpu.wait_dma2 semaphore(%arg16 : memref<!tpu.dma_semaphore, #tpu.memory_space<semaphore_mem>>) src(%dma_wait3A_155 : memref<128x64xf32, #tpu.memory_space<vmem>>) dst(%dma_wait3A_151 : memref<128x64xf32, #tpu.memory_space<hbm>>)
    %add3A_156 = arith.constant 12288 : i32
    %add3A_157 = arith.addi %mul3A_2, %add3A_156 : i32
    %dma_wait3A_158 = arith.constant 0 : i32
    %dma_wait3A_159 = arith.constant 0 : i32
    %dma_wait3A_160 = arith.constant 0 : i32
    %dma_wait3A_161 = tpu.memref_slice %arg7[%dma_wait3A_158, %dma_wait3A_159, %dma_wait3A_160] : memref<2x128x64xf32, #tpu.memory_space<vmem>> -> memref<1x128x64xf32, #tpu.memory_space<vmem>>
    %dma_wait3A_162 = tpu.memref_squeeze %dma_wait3A_161 : memref<1x128x64xf32, #tpu.memory_space<vmem>> -> memref<128x64xf32, #tpu.memory_space<vmem>>
    %dma_wait3A_163 = arith.constant 0 : i32
    %dma_wait3A_164 = tpu.memref_slice %arg4[%add3A_157, %dma_wait3A_163] : memref<409600x128xf32, #tpu.memory_space<hbm>> -> memref<128x64xf32, #tpu.memory_space<hbm>>
    %dma_wait3A_165 = arith.constant 0 : i32
    %dma_wait3A_166 = tpu.memref_slice %arg4[%add3A_157, %dma_wait3A_165] : memref<409600x128xf32, #tpu.memory_space<hbm>> -> memref<128x64xf32, #tpu.memory_space<hbm>>
    %dma_wait3A_167 = arith.constant 0 : i32
    %dma_wait3A_168 = arith.constant 0 : i32
    %dma_wait3A_169 = tpu.memref_slice %arg7[%dma_wait3A_158, %dma_wait3A_167, %dma_wait3A_168] : memref<2x128x64xf32, #tpu.memory_space<vmem>> -> memref<1x128x64xf32, #tpu.memory_space<vmem>>
    %dma_wait3A_170 = tpu.memref_squeeze %dma_wait3A_169 : memref<1x128x64xf32, #tpu.memory_space<vmem>> -> memref<128x64xf32, #tpu.memory_space<vmem>>
    tpu.wait_dma2 semaphore(%arg12 : memref<!tpu.dma_semaphore, #tpu.memory_space<semaphore_mem>>) src(%dma_wait3A_170 : memref<128x64xf32, #tpu.memory_space<vmem>>) dst(%dma_wait3A_166 : memref<128x64xf32, #tpu.memory_space<hbm>>)
    %add3A_171 = arith.constant 12288 : i32
    %add3A_172 = arith.addi %mul3A_2, %add3A_171 : i32
    %dma_wait3A_173 = arith.constant 1 : i32
    %dma_wait3A_174 = arith.constant 0 : i32
    %dma_wait3A_175 = arith.constant 0 : i32
    %dma_wait3A_176 = tpu.memref_slice %arg7[%dma_wait3A_173, %dma_wait3A_174, %dma_wait3A_175] : memref<2x128x64xf32, #tpu.memory_space<vmem>> -> memref<1x128x64xf32, #tpu.memory_space<vmem>>
    %dma_wait3A_177 = tpu.memref_squeeze %dma_wait3A_176 : memref<1x128x64xf32, #tpu.memory_space<vmem>> -> memref<128x64xf32, #tpu.memory_space<vmem>>
    %dma_wait3A_178 = arith.constant 64 : i32
    %dma_wait3A_179 = tpu.memref_slice %arg4[%add3A_172, %dma_wait3A_178] : memref<409600x128xf32, #tpu.memory_space<hbm>> -> memref<128x64xf32, #tpu.memory_space<hbm>>
    %dma_wait3A_180 = arith.constant 64 : i32
    %dma_wait3A_181 = tpu.memref_slice %arg4[%add3A_172, %dma_wait3A_180] : memref<409600x128xf32, #tpu.memory_space<hbm>> -> memref<128x64xf32, #tpu.memory_space<hbm>>
    %dma_wait3A_182 = arith.constant 0 : i32
    %dma_wait3A_183 = arith.constant 0 : i32
    %dma_wait3A_184 = tpu.memref_slice %arg7[%dma_wait3A_173, %dma_wait3A_182, %dma_wait3A_183] : memref<2x128x64xf32, #tpu.memory_space<vmem>> -> memref<1x128x64xf32, #tpu.memory_space<vmem>>
    %dma_wait3A_185 = tpu.memref_squeeze %dma_wait3A_184 : memref<1x128x64xf32, #tpu.memory_space<vmem>> -> memref<128x64xf32, #tpu.memory_space<vmem>>
    tpu.wait_dma2 semaphore(%arg17 : memref<!tpu.dma_semaphore, #tpu.memory_space<semaphore_mem>>) src(%dma_wait3A_185 : memref<128x64xf32, #tpu.memory_space<vmem>>) dst(%dma_wait3A_181 : memref<128x64xf32, #tpu.memory_space<hbm>>)
    %add3A_186 = arith.constant 12416 : i32
    %add3A_187 = arith.addi %mul3A_2, %add3A_186 : i32
    %dma_wait3A_188 = arith.constant 0 : i32
    %dma_wait3A_189 = arith.constant 0 : i32
    %dma_wait3A_190 = arith.constant 0 : i32
    %dma_wait3A_191 = tpu.memref_slice %arg8[%dma_wait3A_188, %dma_wait3A_189, %dma_wait3A_190] : memref<2x128x64xf32, #tpu.memory_space<vmem>> -> memref<1x128x64xf32, #tpu.memory_space<vmem>>
    %dma_wait3A_192 = tpu.memref_squeeze %dma_wait3A_191 : memref<1x128x64xf32, #tpu.memory_space<vmem>> -> memref<128x64xf32, #tpu.memory_space<vmem>>
    %dma_wait3A_193 = arith.constant 0 : i32
    %dma_wait3A_194 = tpu.memref_slice %arg4[%add3A_187, %dma_wait3A_193] : memref<409600x128xf32, #tpu.memory_space<hbm>> -> memref<128x64xf32, #tpu.memory_space<hbm>>
    %dma_wait3A_195 = arith.constant 0 : i32
    %dma_wait3A_196 = tpu.memref_slice %arg4[%add3A_187, %dma_wait3A_195] : memref<409600x128xf32, #tpu.memory_space<hbm>> -> memref<128x64xf32, #tpu.memory_space<hbm>>
    %dma_wait3A_197 = arith.constant 0 : i32
    %dma_wait3A_198 = arith.constant 0 : i32
    %dma_wait3A_199 = tpu.memref_slice %arg8[%dma_wait3A_188, %dma_wait3A_197, %dma_wait3A_198] : memref<2x128x64xf32, #tpu.memory_space<vmem>> -> memref<1x128x64xf32, #tpu.memory_space<vmem>>
    %dma_wait3A_200 = tpu.memref_squeeze %dma_wait3A_199 : memref<1x128x64xf32, #tpu.memory_space<vmem>> -> memref<128x64xf32, #tpu.memory_space<vmem>>
    tpu.wait_dma2 semaphore(%arg13 : memref<!tpu.dma_semaphore, #tpu.memory_space<semaphore_mem>>) src(%dma_wait3A_200 : memref<128x64xf32, #tpu.memory_space<vmem>>) dst(%dma_wait3A_196 : memref<128x64xf32, #tpu.memory_space<hbm>>)
    %add3A_201 = arith.constant 12416 : i32
    %add3A_202 = arith.addi %mul3A_2, %add3A_201 : i32
    %dma_wait3A_203 = arith.constant 1 : i32
    %dma_wait3A_204 = arith.constant 0 : i32
    %dma_wait3A_205 = arith.constant 0 : i32
    %dma_wait3A_206 = tpu.memref_slice %arg8[%dma_wait3A_203, %dma_wait3A_204, %dma_wait3A_205] : memref<2x128x64xf32, #tpu.memory_space<vmem>> -> memref<1x128x64xf32, #tpu.memory_space<vmem>>
    %dma_wait3A_207 = tpu.memref_squeeze %dma_wait3A_206 : memref<1x128x64xf32, #tpu.memory_space<vmem>> -> memref<128x64xf32, #tpu.memory_space<vmem>>
    %dma_wait3A_208 = arith.constant 64 : i32
    %dma_wait3A_209 = tpu.memref_slice %arg4[%add3A_202, %dma_wait3A_208] : memref<409600x128xf32, #tpu.memory_space<hbm>> -> memref<128x64xf32, #tpu.memory_space<hbm>>
    %dma_wait3A_210 = arith.constant 64 : i32
    %dma_wait3A_211 = tpu.memref_slice %arg4[%add3A_202, %dma_wait3A_210] : memref<409600x128xf32, #tpu.memory_space<hbm>> -> memref<128x64xf32, #tpu.memory_space<hbm>>
    %dma_wait3A_212 = arith.constant 0 : i32
    %dma_wait3A_213 = arith.constant 0 : i32
    %dma_wait3A_214 = tpu.memref_slice %arg8[%dma_wait3A_203, %dma_wait3A_212, %dma_wait3A_213] : memref<2x128x64xf32, #tpu.memory_space<vmem>> -> memref<1x128x64xf32, #tpu.memory_space<vmem>>
    %dma_wait3A_215 = tpu.memref_squeeze %dma_wait3A_214 : memref<1x128x64xf32, #tpu.memory_space<vmem>> -> memref<128x64xf32, #tpu.memory_space<vmem>>
    tpu.wait_dma2 semaphore(%arg18 : memref<!tpu.dma_semaphore, #tpu.memory_space<semaphore_mem>>) src(%dma_wait3A_215 : memref<128x64xf32, #tpu.memory_space<vmem>>) dst(%dma_wait3A_211 : memref<128x64xf32, #tpu.memory_space<hbm>>)
    %add3A_216 = arith.constant 12544 : i32
    %add3A_217 = arith.addi %mul3A_2, %add3A_216 : i32
    %dma_wait3A_218 = arith.constant 0 : i32
    %dma_wait3A_219 = arith.constant 0 : i32
    %dma_wait3A_220 = arith.constant 0 : i32
    %dma_wait3A_221 = tpu.memref_slice %arg9[%dma_wait3A_218, %dma_wait3A_219, %dma_wait3A_220] : memref<2x128x64xf32, #tpu.memory_space<vmem>> -> memref<1x128x64xf32, #tpu.memory_space<vmem>>
    %dma_wait3A_222 = tpu.memref_squeeze %dma_wait3A_221 : memref<1x128x64xf32, #tpu.memory_space<vmem>> -> memref<128x64xf32, #tpu.memory_space<vmem>>
    %dma_wait3A_223 = arith.constant 0 : i32
    %dma_wait3A_224 = tpu.memref_slice %arg4[%add3A_217, %dma_wait3A_223] : memref<409600x128xf32, #tpu.memory_space<hbm>> -> memref<128x64xf32, #tpu.memory_space<hbm>>
    %dma_wait3A_225 = arith.constant 0 : i32
    %dma_wait3A_226 = tpu.memref_slice %arg4[%add3A_217, %dma_wait3A_225] : memref<409600x128xf32, #tpu.memory_space<hbm>> -> memref<128x64xf32, #tpu.memory_space<hbm>>
    %dma_wait3A_227 = arith.constant 0 : i32
    %dma_wait3A_228 = arith.constant 0 : i32
    %dma_wait3A_229 = tpu.memref_slice %arg9[%dma_wait3A_218, %dma_wait3A_227, %dma_wait3A_228] : memref<2x128x64xf32, #tpu.memory_space<vmem>> -> memref<1x128x64xf32, #tpu.memory_space<vmem>>
    %dma_wait3A_230 = tpu.memref_squeeze %dma_wait3A_229 : memref<1x128x64xf32, #tpu.memory_space<vmem>> -> memref<128x64xf32, #tpu.memory_space<vmem>>
    tpu.wait_dma2 semaphore(%arg14 : memref<!tpu.dma_semaphore, #tpu.memory_space<semaphore_mem>>) src(%dma_wait3A_230 : memref<128x64xf32, #tpu.memory_space<vmem>>) dst(%dma_wait3A_226 : memref<128x64xf32, #tpu.memory_space<hbm>>)
    %add3A_231 = arith.constant 12544 : i32
    %add3A_232 = arith.addi %mul3A_2, %add3A_231 : i32
    %dma_wait3A_233 = arith.constant 1 : i32
    %dma_wait3A_234 = arith.constant 0 : i32
    %dma_wait3A_235 = arith.constant 0 : i32
    %dma_wait3A_236 = tpu.memref_slice %arg9[%dma_wait3A_233, %dma_wait3A_234, %dma_wait3A_235] : memref<2x128x64xf32, #tpu.memory_space<vmem>> -> memref<1x128x64xf32, #tpu.memory_space<vmem>>
    %dma_wait3A_237 = tpu.memref_squeeze %dma_wait3A_236 : memref<1x128x64xf32, #tpu.memory_space<vmem>> -> memref<128x64xf32, #tpu.memory_space<vmem>>
    %dma_wait3A_238 = arith.constant 64 : i32
    %dma_wait3A_239 = tpu.memref_slice %arg4[%add3A_232, %dma_wait3A_238] : memref<409600x128xf32, #tpu.memory_space<hbm>> -> memref<128x64xf32, #tpu.memory_space<hbm>>
    %dma_wait3A_240 = arith.constant 64 : i32
    %dma_wait3A_241 = tpu.memref_slice %arg4[%add3A_232, %dma_wait3A_240] : memref<409600x128xf32, #tpu.memory_space<hbm>> -> memref<128x64xf32, #tpu.memory_space<hbm>>
    %dma_wait3A_242 = arith.constant 0 : i32
    %dma_wait3A_243 = arith.constant 0 : i32
    %dma_wait3A_244 = tpu.memref_slice %arg9[%dma_wait3A_233, %dma_wait3A_242, %dma_wait3A_243] : memref<2x128x64xf32, #tpu.memory_space<vmem>> -> memref<1x128x64xf32, #tpu.memory_space<vmem>>
    %dma_wait3A_245 = tpu.memref_squeeze %dma_wait3A_244 : memref<1x128x64xf32, #tpu.memory_space<vmem>> -> memref<128x64xf32, #tpu.memory_space<vmem>>
    tpu.wait_dma2 semaphore(%arg19 : memref<!tpu.dma_semaphore, #tpu.memory_space<semaphore_mem>>) src(%dma_wait3A_245 : memref<128x64xf32, #tpu.memory_space<vmem>>) dst(%dma_wait3A_241 : memref<128x64xf32, #tpu.memory_space<hbm>>)
    %add3A_246 = arith.constant 12672 : i32
    %add3A_247 = arith.addi %mul3A_2, %add3A_246 : i32
    %dma_wait3A_248 = arith.constant 0 : i32
    %dma_wait3A_249 = arith.constant 0 : i32
    %dma_wait3A_250 = arith.constant 0 : i32
    %dma_wait3A_251 = tpu.memref_slice %arg10[%dma_wait3A_248, %dma_wait3A_249, %dma_wait3A_250] : memref<2x128x64xf32, #tpu.memory_space<vmem>> -> memref<1x128x64xf32, #tpu.memory_space<vmem>>
    %dma_wait3A_252 = tpu.memref_squeeze %dma_wait3A_251 : memref<1x128x64xf32, #tpu.memory_space<vmem>> -> memref<128x64xf32, #tpu.memory_space<vmem>>
    %dma_wait3A_253 = arith.constant 0 : i32
    %dma_wait3A_254 = tpu.memref_slice %arg4[%add3A_247, %dma_wait3A_253] : memref<409600x128xf32, #tpu.memory_space<hbm>> -> memref<128x64xf32, #tpu.memory_space<hbm>>
    %dma_wait3A_255 = arith.constant 0 : i32
    %dma_wait3A_256 = tpu.memref_slice %arg4[%add3A_247, %dma_wait3A_255] : memref<409600x128xf32, #tpu.memory_space<hbm>> -> memref<128x64xf32, #tpu.memory_space<hbm>>
    %dma_wait3A_257 = arith.constant 0 : i32
    %dma_wait3A_258 = arith.constant 0 : i32
    %dma_wait3A_259 = tpu.memref_slice %arg10[%dma_wait3A_248, %dma_wait3A_257, %dma_wait3A_258] : memref<2x128x64xf32, #tpu.memory_space<vmem>> -> memref<1x128x64xf32, #tpu.memory_space<vmem>>
    %dma_wait3A_260 = tpu.memref_squeeze %dma_wait3A_259 : memref<1x128x64xf32, #tpu.memory_space<vmem>> -> memref<128x64xf32, #tpu.memory_space<vmem>>
    tpu.wait_dma2 semaphore(%arg15 : memref<!tpu.dma_semaphore, #tpu.memory_space<semaphore_mem>>) src(%dma_wait3A_260 : memref<128x64xf32, #tpu.memory_space<vmem>>) dst(%dma_wait3A_256 : memref<128x64xf32, #tpu.memory_space<hbm>>)
    %add3A_261 = arith.constant 12672 : i32
    %add3A_262 = arith.addi %mul3A_2, %add3A_261 : i32
    %dma_wait3A_263 = arith.constant 1 : i32
    %dma_wait3A_264 = arith.constant 0 : i32
    %dma_wait3A_265 = arith.constant 0 : i32
    %dma_wait3A_266 = tpu.memref_slice %arg10[%dma_wait3A_263, %dma_wait3A_264, %dma_wait3A_265] : memref<2x128x64xf32, #tpu.memory_space<vmem>> -> memref<1x128x64xf32, #tpu.memory_space<vmem>>
    %dma_wait3A_267 = tpu.memref_squeeze %dma_wait3A_266 : memref<1x128x64xf32, #tpu.memory_space<vmem>> -> memref<128x64xf32, #tpu.memory_space<vmem>>
    %dma_wait3A_268 = arith.constant 64 : i32
    %dma_wait3A_269 = tpu.memref_slice %arg4[%add3A_262, %dma_wait3A_268] : memref<409600x128xf32, #tpu.memory_space<hbm>> -> memref<128x64xf32, #tpu.memory_space<hbm>>
    %dma_wait3A_270 = arith.constant 64 : i32
    %dma_wait3A_271 = tpu.memref_slice %arg4[%add3A_262, %dma_wait3A_270] : memref<409600x128xf32, #tpu.memory_space<hbm>> -> memref<128x64xf32, #tpu.memory_space<hbm>>
    %dma_wait3A_272 = arith.constant 0 : i32
    %dma_wait3A_273 = arith.constant 0 : i32
    %dma_wait3A_274 = tpu.memref_slice %arg10[%dma_wait3A_263, %dma_wait3A_272, %dma_wait3A_273] : memref<2x128x64xf32, #tpu.memory_space<vmem>> -> memref<1x128x64xf32, #tpu.memory_space<vmem>>
    %dma_wait3A_275 = tpu.memref_squeeze %dma_wait3A_274 : memref<1x128x64xf32, #tpu.memory_space<vmem>> -> memref<128x64xf32, #tpu.memory_space<vmem>>
    tpu.wait_dma2 semaphore(%arg20 : memref<!tpu.dma_semaphore, #tpu.memory_space<semaphore_mem>>) src(%dma_wait3A_275 : memref<128x64xf32, #tpu.memory_space<vmem>>) dst(%dma_wait3A_271 : memref<128x64xf32, #tpu.memory_space<hbm>>)
    return
  }
}

module attributes {stable_mosaic.version = 14 : i64} {
  func.func @_linear_body(%arg0: i32, %arg1: memref<8192x128xf32, #tpu.memory_space<vmem>>, %arg2: memref<64x64xf32, #tpu.memory_space<vmem>>, %arg3: memref<64x1xf32, #tpu.memory_space<vmem>>, %arg4: memref<1x64x16384xf32, #tpu.memory_space<vmem>>) attributes {dimension_semantics = [#tpu.dimension_semantics<arbitrary>], iteration_bounds = array<i64: 50>, scalar_prefetch = 0 : i64, scratch_operands = 0 : i64, tpu.core_type = #tpu.core_type<tc>, window_params = [{transform_indices = @transform_0, window_bounds = array<i64: 8192, 128>}, {pipeline_mode = #tpu.pipeline_mode<synchronous>, transform_indices = @transform_1, window_bounds = array<i64: 64, 64>}, {pipeline_mode = #tpu.pipeline_mode<synchronous>, transform_indices = @transform_2, window_bounds = array<i64: 64, 1>}, {transform_indices = @transform_3, window_bounds = array<i64: 1, 64, 16384>}]} {
    %get3A = arith.constant 0 : index
    %get3A_0 = arith.constant 0 : index
    %get3A_1 = vector.load %arg1[%get3A, %get3A_0] : memref<8192x128xf32, #tpu.memory_space<vmem>>, vector<8192x128xf32>
    %get3A_2 = arith.constant 0 : index
    %get3A_3 = arith.constant 0 : index
    %get3A_4 = vector.load %arg2[%get3A_2, %get3A_3] : memref<64x64xf32, #tpu.memory_space<vmem>>, vector<64x64xf32>
    %get3A_5 = arith.constant 0 : index
    %get3A_6 = arith.constant 0 : index
    %get3A_7 = vector.load %arg3[%get3A_5, %get3A_6] : memref<64x1xf32, #tpu.memory_space<vmem>>, vector<64x1xf32>
    %slice3A = vector.extract_strided_slice %get3A_1 {offsets = [0, 0], sizes = [8192, 64], strides = [1, 1]} : vector<8192x128xf32> to vector<8192x64xf32>
    %dot_general3A = arith.constant dense<0.000000e+00> : vector<64x8192xf32>
    %dot_general3A_8 = tpu.matmul %get3A_4, %slice3A, %dot_general3A {dimension_numbers = #tpu.dot_dimension_numbers<[1], [1], [0], [0], [0, 0, 1, 0], [], []>, transpose_lhs_hint = false} : vector<64x64xf32>, vector<8192x64xf32>, vector<64x8192xf32> -> vector<64x8192xf32>
    %slice3A_9 = vector.extract_strided_slice %get3A_1 {offsets = [0, 64], sizes = [8192, 64], strides = [1, 1]} : vector<8192x128xf32> to vector<8192x64xf32>
    %dot_general3A_10 = arith.constant dense<0.000000e+00> : vector<64x8192xf32>
    %dot_general3A_11 = tpu.matmul %get3A_4, %slice3A_9, %dot_general3A_10 {dimension_numbers = #tpu.dot_dimension_numbers<[1], [1], [0], [0], [0, 0, 1, 0], [], []>, transpose_lhs_hint = false} : vector<64x64xf32>, vector<8192x64xf32>, vector<64x8192xf32> -> vector<64x8192xf32>
    %add3A = vector.broadcast %get3A_7 : vector<64x1xf32> to vector<64x8192xf32>
    %add3A_12 = arith.addf %dot_general3A_8, %add3A : vector<64x8192xf32>
    %swap3A = arith.constant 0 : index
    %swap3A_13 = arith.constant 0 : index
    %swap3A_14 = arith.constant 0 : index
    %swap3A_15 = vector.load %arg4[%swap3A, %swap3A_13, %swap3A_14] : memref<1x64x16384xf32, #tpu.memory_space<vmem>>, vector<1x64x8192xf32>
    %swap3A_16 = vector.shape_cast %swap3A_15 : vector<1x64x8192xf32> to vector<64x8192xf32>
    %swap3A_17 = vector.shape_cast %add3A_12 : vector<64x8192xf32> to vector<1x64x8192xf32>
    tpu.vector_store %arg4[%swap3A, %swap3A_13, %swap3A_14], %swap3A_17 {strides = array<i32>} : memref<1x64x16384xf32, #tpu.memory_space<vmem>>, vector<1x64x8192xf32>,
    %add3A_18 = vector.broadcast %get3A_7 : vector<64x1xf32> to vector<64x8192xf32>
    %add3A_19 = arith.addf %dot_general3A_11, %add3A_18 : vector<64x8192xf32>
    %swap3A_20 = arith.constant 0 : index
    %swap3A_21 = arith.constant 0 : index
    %swap3A_22 = arith.constant 8192 : index
    %swap3A_23 = vector.load %arg4[%swap3A_20, %swap3A_21, %swap3A_22] : memref<1x64x16384xf32, #tpu.memory_space<vmem>>, vector<1x64x8192xf32>
    %swap3A_24 = vector.shape_cast %swap3A_23 : vector<1x64x8192xf32> to vector<64x8192xf32>
    %swap3A_25 = vector.shape_cast %add3A_19 : vector<64x8192xf32> to vector<1x64x8192xf32>
    tpu.vector_store %arg4[%swap3A_20, %swap3A_21, %swap3A_22], %swap3A_25 {strides = array<i32>} : memref<1x64x16384xf32, #tpu.memory_space<vmem>>, vector<1x64x8192xf32>,
    return
  }
  func.func @transform_0(%arg0: i32) -> (i32, i32) {
    %c0_i32 = arith.constant 0 : i32
    %c0_i32_0 = arith.constant 0 : i32
    return %arg0, %c0_i32 : i32, i32
  }
  func.func @transform_1(%arg0: i32) -> (i32, i32) {
    %c0_i32 = arith.constant 0 : i32
    %c0_i32_0 = arith.constant 0 : i32
    %c0_i32_1 = arith.constant 0 : i32
    return %c0_i32, %c0_i32_0 : i32, i32
  }
  func.func @transform_2(%arg0: i32) -> (i32, i32) {
    %c0_i32 = arith.constant 0 : i32
    %c0_i32_0 = arith.constant 0 : i32
    %c0_i32_1 = arith.constant 0 : i32
    return %c0_i32, %c0_i32_0 : i32, i32
  }
  func.func @transform_3(%arg0: i32) -> (i32, i32, i32) {
    %c0_i32 = arith.constant 0 : i32
    %c0_i32_0 = arith.constant 0 : i32
    %c0_i32_1 = arith.constant 0 : i32
    return %arg0, %c0_i32, %c0_i32_0 : i32, i32, i32
  }
}

</mosaic_0001>

<sc_bundles>
// kernel: kernel.4.cloned.1.call-start
scs
__scs_entry_jumppad:
0x0: {  	(pc) =	sbr.rel $0x88, $3  }
0x1: {  	(tag) =	ssettag $0x0;
	lr =	simm.s32 $0x1  }
0x2: {  	[smem:$0x3F9D] =	sst lr;
	_ =	strace $0xD0000000  }
0x3: {  	_ = 	snop  }
0x4: {  	_ = 	snop  }
0x5: {  	_ = 	snop  }
0x6: {  	_ = 	snop  }
0x7: {  	_ = 	snop  }
__scs_overlays_trampoline_lowered:
0x8: {  	[smem:$0x3FAC] =	sst s0  }
0x9: {  	[smem:$0x3FAD] =	sst s1  }
0xa: {  	[smem:$0x3FAE] =	sst s2  }
0xb: {  	[smem:$0x3FAF] =	sst s3  }
0xc: {  	[smem:$0x3FB0] =	sst s4  }
0xd: {  	[smem:$0x3FB1] =	sst s5  }
0xe: {  	[smem:$0x3FB2] =	sst s6  }
0xf: {  	[smem:$0x3FB3] =	sst s7  }
0x10: {  	[smem:$0x3FB4] =	sst s8  }
0x11: {  	[smem:$0x3FB5] =	sst s9;
	s0 =	simm.s32 @!p0 $0x0  }
0x12: {  	s1 =	sld [smem:$0x3F9B];
	s0 =	simm.s32 @p0 $0x1  }
0x13: {  	[smem:$0x3FB6] =	sst s0;
	s0 =	simm.s32 @!p1 $0x0  }
0x14: {  	s2 =	sld [smem:$0x3F9A];
	s0 =	simm.s32 @p1 $0x1  }
0x15: {  	[smem:$0x3FB7] =	sst s0;
	s0 =	simm.s32 @!p2 $0x0  }
0x16: {  	s3 =	sld [smem:$0x3FDB];
	s0 =	simm.s32 @p2 $0x1  }
0x17: {  	s4 =	simm.s32 $0x1BF5;
	[smem:$0x3FB9] =	sst s0  }
0x18: {  	s0 =	sld [smem:$0x3F9C];
	_ =	swait.ge [sflag:s4], $0x0  }
0x19: {  	s7 =	sld [smem:$0x3F9D]  }
0x1a: {  	s8 =	sadd.s32 $0xFFFFE003, lr  }
0x1b: {  	s9 =	sadd.s32 $0xFFFFFEF7, lr;
	s5 =	simm.s32 $0xFFFFFFFF;
	p2 =	slt.u32 s8, $0xFFFFF086  }
0x1c: {  	p1 =	slt.u32 s9, $0xF7A;
	s5 =	simm.s32 @!p2 $0x0  }
0x1d: {  	s5 =	simm.s32 @p1 $0x1;
	p0 =	seq.s32 s7, s2  }
0x1e: {  	s7 =	smul.u32 @!p0 $0xF7A, s2;
	p2 =	seq.s32 @!p0 s5, $0x0  }
0x1f: {  	s9 =	smul.u32 $0xF7A, s1;
	s8 =	simm.s32 @!p0 $0x1BF5;
	p2 =	por !p2, p0  }
0x20: {  	[sflag:s8] =	ssyncset.s32 @!p0 $0xFFFFF086;
	s6 =	sadd.s32 @!p0 s3, s7;
	s7 =	simm.s32 @!p0 $0x108  }
0x21: {  	s3 =	sadd.s32 s3, s9;
	s6 =	sadd.s32 @!p0 $0x88, s6;
	s7 =	simm.s32 @p2 $0x1082  }
0x22: {  	[simem:s7], [sflag:s8] =	dma.local @!p0 [hbm:s6], $0xF7A  }
0x23: {  	s9 =	sor.u32 $0xD0000000, s2;
	s6 =	simm.s32 $0x108;
	_ =	swait.ge @!p0 [sflag:s8], $0x0  }
0x24: {  	s3 =	sadd.s32 $0x88, s3;
	s6 =	simm.s32 @!p1 $0x1082;
	[sflag:s4] =	ssyncset.s32 $0xFFFFF086  }
0x25: {  	[simem:s6], [sflag:s4] =	dma.local [hbm:s3], $0xF7A  }
0x26: {  	[smem:$0x3F9D] =	sst s1;
	(tag) =	ssettag s2;
	_ =	strace s9  }
0x27: {  	s1 =	sld [smem:$0x3FAD]  }
0x28: {  	s2 =	sld [smem:$0x3FAE]  }
0x29: {  	s4 =	sld [smem:$0x3FB0]  }
0x2a: {  	p0 =	seq.s32 s5, $0x0;
	s5 =	sld [smem:$0x3FB1]  }
0x2b: {  	s6 =	sld [smem:$0x3FB2]  }
0x2c: {  	s7 =	sld [smem:$0x3FB3]  }
0x2d: {  	s3 =	simm.s32 $0x108;
	s8 =	sld [smem:$0x3FB4]  }
0x2e: {  	s3 =	simm.s32 @!p0 $0x1082;
	s9 =	sld [smem:$0x3FB5]  }
0x2f: {  	lr =	sadd.s32 s0, s3;
	s0 =	sld [smem:$0x3FAC]  }
0x30: {  	s3 =	sld [smem:$0x3FAF]  }
0x31: {  	[smem:$0x3FB8] =	sst s10  }
0x32: {  	s10 =	sld [smem:$0x3FB6];
	_ =	sdelay $0x3  }
0x33: {  	p0 =	seq.s32 s10, $0x1;
	s10 =	sld [smem:$0x3FB8];
	_ =	sdelay $0x3  }
0x34: {  	[smem:$0x3FB8] =	sst s10  }
0x35: {  	s10 =	sld [smem:$0x3FB7];
	_ =	sdelay $0x3  }
0x36: {  	p1 =	seq.s32 s10, $0x1;
	s10 =	sld [smem:$0x3FB8];
	_ =	sdelay $0x3  }
0x37: {  	[smem:$0x3FB8] =	sst s10  }
0x38: {  	s10 =	sld [smem:$0x3FB9]  }
0x39: {  	_ = 	snop;
	(pc) =	sbr.ind lr, $3  }
0x3a: {  	_ = 	snop  }
0x3b: {  	_ = 	snop  }
0x3c: {  	p2 =	seq.s32 s10, $0x1;
	s10 =	sld [smem:$0x3FB8]  }
0x3d: {  	_ =	shalt  }
0x3e: {  	_ =	shalt  }
0x3f: {  	_ =	shalt  }
0x40: {  	_ =	shalt  }
0x41: {  	_ =	shalt  }
0x42: {  	_ =	shalt  }
0x43: {  	_ =	shalt  }
0x44: {  	_ =	shalt  }
0x45: {  	_ =	shalt  }
0x46: {  	_ =	shalt  }
0x47: {  	_ =	shalt  }
0x48: {  	_ =	shalt  }
0x49: {  	_ =	shalt  }
0x4a: {  	_ =	shalt  }
0x4b: {  	_ =	shalt  }
0x4c: {  	_ =	shalt  }
0x4d: {  	_ =	shalt  }
0x4e: {  	_ =	shalt  }
0x4f: {  	_ =	shalt  }
0x50: {  	_ =	shalt  }
0x51: {  	_ =	shalt  }
0x52: {  	_ =	shalt  }
0x53: {  	_ =	shalt  }
0x54: {  	_ =	shalt  }
0x55: {  	_ =	shalt  }
0x56: {  	_ =	shalt  }
0x57: {  	_ =	shalt  }
0x58: {  	_ =	shalt  }
0x59: {  	_ =	shalt  }
0x5a: {  	_ =	shalt  }
0x5b: {  	_ =	shalt  }
0x5c: {  	_ =	shalt  }
0x5d: {  	_ =	shalt  }
0x5e: {  	_ =	shalt  }
0x5f: {  	_ =	shalt  }
0x60: {  	_ =	shalt  }
0x61: {  	_ =	shalt  }
0x62: {  	_ =	shalt  }
0x63: {  	_ =	shalt  }
0x64: {  	_ =	shalt  }
0x65: {  	_ =	shalt  }
0x66: {  	_ =	shalt  }
0x67: {  	_ =	shalt  }
0x68: {  	_ =	shalt  }
0x69: {  	_ =	shalt  }
0x6a: {  	_ =	shalt  }
0x6b: {  	_ =	shalt  }
0x6c: {  	_ =	shalt  }
0x6d: {  	_ =	shalt  }
0x6e: {  	_ =	shalt  }
0x6f: {  	_ =	shalt  }
0x70: {  	_ =	shalt  }
0x71: {  	_ =	shalt  }
0x72: {  	_ =	shalt  }
0x73: {  	_ =	shalt  }
0x74: {  	_ =	shalt  }
0x75: {  	_ =	shalt  }
0x76: {  	_ =	shalt  }
0x77: {  	_ =	shalt  }
0x78: {  	_ =	shalt  }
0x79: {  	_ =	shalt  }
0x7a: {  	_ =	shalt  }
0x7b: {  	_ =	shalt  }
0x7c: {  	_ =	shalt  }
0x7d: {  	_ =	shalt  }
0x7e: {  	_ =	shalt  }
0x7f: {  	_ =	shalt  }
0x80: {  	_ =	shalt  }
0x81: {  	_ =	shalt  }
0x82: {  	_ =	shalt  }
0x83: {  	_ =	shalt  }
0x84: {  	_ =	shalt  }
0x85: {  	_ =	shalt  }
0x86: {  	_ =	shalt  }
0x87: {  	_ =	shalt  }
.Lfunc_end0:
.L_simem_size_0:
called_computation_lowered:
.L_overlay_start_0:
0x88: {  	s2 =	sld [smem:$0x3FD9]  }
0x89: {  	s3 =	sld [smem:$0x3FFE];
	_ =	sdelay $0x1  }
0x8a: {  	s1 =	srdreg.scid  }
0x8b: {  	s0 =	sand.u32 $0x1, s1  }
0x8c: {  	s17 =	sshll.u32 s0, $0xA;
	s2 =	sadd.s32 s3, s2  }
0x8d: {  	s2 =	sadd.s32 s2, s17  }
0x8e: {  	[smem:$0x3FC4] =	sst s2  }
0x8f: {  	_ = 	snop  }
0x90: {  	s2 =	sld [smem:$0x3FD0];
	(tm) =	ssettm $0x1  }
0x91: {  	s18 =	sld [smem:$0x3FFB];
	_ =	sdelay $0x3  }
0x92: {  	_ =	strace s18  }
0x93: {  	s3 =	sld [smem:$0x3FFC];
	_ =	sdelay $0x3  }
0x94: {  	_ =	strace s3  }
0x95: {  	s3 =	sld [smem:$0x3FFD];
	_ =	sdelay $0x3  }
0x96: {  	_ =	strace s3  }
0x97: {  	_ =	strace $0x8FFFFFFF  }
0x98: {  	s19 =	sld [smem:$0x3FDB];
	_ =	sdelay $0x1  }
0x99: {  	s4 =	simm.s32 $_scs_section_size  }
0x9a: {  	s5 =	simm.s32 $_size__tile_overlayer_lowered;
	s6 =	simm.s32 $_tile_overlayer_lowered  }
0x9b: {  	s22 =	simm.s32 $0x1BFF;
	s21 =	sshll.u32 s6, $0x1;
	s3 =	sadd.s32 s4, s19  }
0x9c: {  	s7 =	simm.s32 $0x0;
	s20 =	sshll.u32 s5, $0x1;
	s5 =	sadd.s32 s21, s3  }
0x9d: {  	[timem:s7], [sflag:s22] =	dma.local [hbm:s5], s20  }
0x9e: {  	_ =	swait.ge [sflag:s22], s20  }
0x9f: {  	s4 =	ssub.s32 $0x0, s20;
	[sflag:s22] =	ssyncset.done $0x0  }
0xa0: {  	[sflag:s22] =	ssyncadd.s32 s4;
	_ =	sdelay $0x1  }
0xa1: {  	s23 =	simm.s32 $0x1B8B  }
0xa2: {  	_ =	swait.ge [sflag:s23], $0x1  }
0xa3: {  	[sflag:s23] =	ssyncset.done $0x0  }
0xa4: {  	s25 =	simm.s32 $0x1B8E;
	s24 =	sld [smem:$0x3FFE];
	[sflag:s23] =	ssyncadd.s32 $0xFFFFFFFF  }
0xa5: {  	s26 =	simm.s32 $execute0_lowered;
	[smem:$0x3FD2] =	sst s25  }
0xa6: {  	s5 =	sshll.u32 s26, $0x1;
	_ =	strace $0x80000046;
	[dreg:$0x1] =	wrdreg $0xFFFFFFFF  }
0xa7: {  	s28 =	simm.s32 $_size_execute0_lowered;
	s3 =	sadd.s32 s3, s5;
	[dreg:$0x0] =	wrdreg $0x0  }
0xa8: {  	s5 =	sshll.u32 s28, $0x1;
	[dreg:$0x2] =	wrdreg s3  }
0xa9: {  	[dreg:$0x3] =	wrdreg s5  }
0xaa: {  	[dreg:$0x4] =	wrdreg $0xC0  }
0xab: {  	_ =	task [dreg:s7], $0x5FFFF  }
0xac: {  	[dreg:$0x1] =	wrdreg $0xFFFFFFFF  }
0xad: {  	[dreg:$0x0] =	wrdreg $0x60  }
0xae: {  	[dreg:$0x2] =	wrdreg s24  }
0xaf: {  	[dreg:$0x3] =	wrdreg s2  }
0xb0: {  	[dreg:$0x4] =	wrdreg $0x9  }
0xb1: {  	_ =	task.clear_ibuf [dreg:s7], $0x5FFFF;
	_ =	strace $0x90000046  }
0xb2: {  	s29 =	simm.s32 $0x9;
	_ =	strace $0x80000048  }
0xb3: {  	_ =	swait.ge [sflag:s29], $0x1  }
0xb4: {  	[sflag:s29] =	ssyncadd.s32 $0xFFFFFFFF  }
0xb5: {  	_ =	strace $0x90000048  }
0xb6: {  	_ =	sfence  }
0xb7: {  	s30 =	sld [smem:$0x0];
	_ =	sdelay $0x2  }
0xb8: {  	s31 =	sshll.u32 s1, $0xD;
	s1 =	sshrl.u32 s1, $0x2  }
0xb9: {  	s3 =	sand.u32 $0x4000, s31;
	s1 =	sadd.s32 s1, s30  }
0xba: {  	s0 =	sor.u32 s3, s0;
	s1 =	sshll.u32 s1, $0x11  }
0xbb: {  	s0 =	sor.u32 s1, s0  }
0xbc: {  	s0 =	sadd.s32 $0x8F2B, s0  }
0xbd: {  	[sflag:s0] =	ssyncadd.remote.s32 $0x1  }
0xbe: {  	_ =	sfence.sel $0xFFFF  }
0xbf: {  	[dreg:$0x0] =	wrdreg $0xFFFFFFFF;
	(pc) =	sbr.abs _section_cstart, $3  }
0xc0: {  	[dreg:$0x1] =	wrdreg $0xFFFFFFFF  }
0xc1: {  	_ =	task.clear_ibuf [dreg:s7], $0x2FFFF;
	_ =	strace $0x9FFFFFFF  }
0xc2: {  	(tm) =	ssettm $0x7FFFFFFF  }
0xc3: {  	_ =	shalt  }
tec
execute0_lowered:
.L_overlay_start_1:
0x0: {  	(tag) =	ssettag $0x1  }
0x1: {  	s0 =	rddreg [dreg:$0x0]  }
0x2: {  	s1 =	rddreg [dreg:$0x1];
	s5 =	stileid.u32  }
0x3: {  	s2 =	srdreg.scid;
	s25 =	simm.s32 $0x0;
	s9 =	simm.s32 $0x6400  }
0x4: {  	s10 =	simm.s32 $0x8400;
	s12 =	simm.s32 $0xA400;
	s14 =	simm.s32 $0xC400  }
0x5: {  	s16 =	simm.s32 $0xE400;
	s18 =	simm.s32 $0x10400;
	s20 =	simm.s32 $0x12400  }
0x6: {  	s22 =	simm.s32 $0x14400;
	s24 =	simm.s32 $0x16400;
	s28 =	simm.s32 $0x1  }
0x7: {  	s29 =	simm.s32 $0x40;
	s30 =	simm.s32 $0x6;
	s31 =	simm.s32 $0x2  }
0x8: {  	s11 =	simm.s32 $0x8;
	s13 =	simm.s32 $0x4;
	s15 =	simm.s32 $0x9  }
0x9: {  	s17 =	simm.s32 $0x5;
	s19 =	simm.s32 $0xA;
	s21 =	simm.s32 $0x0  }
0xa: {  	s3 =	sand.u32 $0x1, s2;
	s4 =	sshll.u32 s5, $0x1;
	s5 =	smul.u32 $0x64000, s5  }
0xb: {  	[smem:$0x7FF] =	sst s25;
	s4 =	sor.u32 s3, s4;
	s8 =	smul.u32 $0x32000, s3  }
0xc: {  	s6 =	ssub.s32 $0x2, s3;
	s3 =	sadd.s32 $0xF42E00, s0;
	s4 =	smul.u32 $0xC80, s4  }
.Ltmp0:
0xd: {  	s7 =	sshrl.u32 s6, $0x1;
	s0 =	sadd.s32 s5, s0;
	(pc) =	sbr.rel .LBB2_1-.Ltmp0, $4  }
0xe: {  	_ =	strace $0x80000047;
	s26 =	ssub.s32 s6, s7;
	s0 =	sadd.s32 s8, s0  }
0xf: {  	s7 =	simm.s32 $0xB;
	s8 =	simm.s32 $0x80;
	s1 =	sadd.s32 s1, s4  }
0x10: {  	s5 =	smax.u32 s26, $0x1;
	s23 =	sadd.s32 $0x2A08, s0;
	s26 =	simm.s32 $0x18400  }
0x11: {  	s0 =	simm.s32 $0x7;
	[dreg:$0x3] =	wrdreg s1;
	s1 =	simm.s32 $0x3  }
.LBB2_4:
0x12: {  	_ =	swait.ge [sflag:s30], $0x2000  }
0x13: {  	[sflag:s30] =	ssyncset.done $0x0  }
0x14: {  	[sflag:s30] =	ssyncadd.s32 $0xFFFFE000  }
0x15: {  	_ =	swait.ge [sflag:s31], $0x2000  }
0x16: {  	[sflag:s31] =	ssyncset.done $0x0  }
0x17: {  	[sflag:s31] =	ssyncadd.s32 $0xFFFFE000  }
0x18: {  	_ =	swait.ge [sflag:s0], $0x2000  }
0x19: {  	[sflag:s0] =	ssyncset.done $0x0  }
0x1a: {  	[sflag:s0] =	ssyncadd.s32 $0xFFFFE000  }
0x1b: {  	_ =	swait.ge [sflag:s1], $0x2000  }
0x1c: {  	[sflag:s1] =	ssyncset.done $0x0  }
0x1d: {  	[sflag:s1] =	ssyncadd.s32 $0xFFFFE000  }
0x1e: {  	_ =	swait.ge [sflag:s11], $0x2000  }
0x1f: {  	[sflag:s11] =	ssyncset.done $0x0  }
0x20: {  	[sflag:s11] =	ssyncadd.s32 $0xFFFFE000  }
0x21: {  	_ =	swait.ge [sflag:s13], $0x2000  }
0x22: {  	[sflag:s13] =	ssyncset.done $0x0  }
0x23: {  	[sflag:s13] =	ssyncadd.s32 $0xFFFFE000  }
0x24: {  	_ =	swait.ge [sflag:s15], $0x2000  }
0x25: {  	[sflag:s15] =	ssyncset.done $0x0  }
0x26: {  	s21 =	sadd.s32 $0x1, s21;
	[sflag:s15] =	ssyncadd.s32 $0xFFFFE000  }
0x27: {  	p0 =	sne.s32 s21, s5;
	_ =	swait.ge [sflag:s17], $0x2000  }
.Ltmp1:
0x28: {  	[sflag:s17] =	ssyncset.done $0x0;
	(pc) =	sbr.rel @!p0 .LBB2_5-.Ltmp1, $4  }
0x29: {  	[sflag:s17] =	ssyncadd.s32 $0xFFFFE000  }
0x2a: {  	_ =	swait.ge [sflag:s19], $0x2000  }
0x2b: {  	[sflag:s19] =	ssyncset.done $0x0  }
0x2c: {  	[sflag:s19] =	ssyncadd.s32 $0xFFFFE000  }
.LBB2_1:
0x2d: {  	s2 =	simm.s32 $0x0;
	s4 =	rddreg [dreg:$0x3]  }
0x2e: {  	[tilespmem:s2], [sflag:$0xB] =	stream.linear.gather [hbm4b:s4+s2], $0x6400, $0x38;
	[tilespmem:$0x1A400] =	vst v63  }
0x2f: {  	_ =	swait.ge [sflag:s7], $0x6400  }
0x30: {  	[sflag:s7] =	ssyncset.done $0x0  }
0x31: {  	[sflag:s7] =	ssyncadd.s32 $0xFFFF9C00  }
0x32: {  	[tilespmem:s9], [sflag:$0x1] =	stream.indirect.gather [hbm4b:s3+s8], $0x40, s2, s8, $0xb8;
	[tilespmem:$0x1A400] =	vst v63  }
0x33: {  	_ = 	snop  }
0x34: {  	[tilespmem:s10], [sflag:$0x6] =	stream.indirect.gather [hbm4b:s3+s8], $0x40, s8, s8, $0xb8;
	[tilespmem:$0x1A400] =	vst v63  }
0x35: {  	s6 =	simm.s32 $0x100  }
0x36: {  	[tilespmem:s12], [sflag:$0x2] =	stream.indirect.gather [hbm4b:s3+s8], $0x40, s6, s8, $0xb8;
	[tilespmem:$0x1A400] =	vst v63  }
0x37: {  	s25 =	simm.s32 $0x180  }
0x38: {  	[tilespmem:s14], [sflag:$0x7] =	stream.indirect.gather [hbm4b:s3+s8], $0x40, s25, s8, $0xb8;
	[tilespmem:$0x1A400] =	vst v63  }
0x39: {  	s4 =	simm.s32 $0x200  }
0x3a: {  	[tilespmem:s16], [sflag:$0x3] =	stream.indirect.gather [hbm4b:s3+s8], $0x40, s4, s8, $0xb8;
	[tilespmem:$0x1A400] =	vst v63  }
0x3b: {  	s6 =	simm.s32 $0x280  }
0x3c: {  	[tilespmem:s18], [sflag:$0x8] =	stream.indirect.gather [hbm4b:s3+s8], $0x40, s6, s8, $0xb8;
	[tilespmem:$0x1A400] =	vst v63  }
0x3d: {  	s25 =	simm.s32 $0x300  }
0x3e: {  	[tilespmem:s20], [sflag:$0x4] =	stream.indirect.gather [hbm4b:s3+s8], $0x40, s25, s8, $0xb8;
	[tilespmem:$0x1A400] =	vst v63  }
0x3f: {  	s4 =	simm.s32 $0x380  }
0x40: {  	[tilespmem:s22], [sflag:$0x9] =	stream.indirect.gather [hbm4b:s3+s8], $0x40, s4, s8, $0xb8;
	[tilespmem:$0x1A400] =	vst v63  }
0x41: {  	s6 =	simm.s32 $0x400  }
0x42: {  	[tilespmem:s24], [sflag:$0x5] =	stream.indirect.gather [hbm4b:s3+s8], $0x40, s6, s8, $0xb8;
	[tilespmem:$0x1A400] =	vst v63  }
0x43: {  	s25 =	simm.s32 $0x480  }
0x44: {  	[tilespmem:s26], [sflag:$0xA] =	stream.indirect.gather [hbm4b:s3+s8], $0x40, s25, s8, $0xb8;
	[tilespmem:$0x1A400] =	vst v63  }
0x45: {  	s6 =	smov.u32 s23;
	s25 =	simm.s32 $0x0  }
.LBB2_2:
0x46: {  	_ =	swait.ge [sflag:s28], $0x2000  }
0x47: {  	[sflag:s28] =	ssyncset.done $0x0  }
0x48: {  	s2 =	sadd.s32 $0xFFFFDFF8, s6;
	[sflag:s28] =	ssyncadd.s32 $0xFFFFE000  }
0x49: {  	[hbm4b:s2+s29] =	stream.strided.scatter [tilespmem:s9], [sflag:$0x1], $0x2000, s8, s29, $0x38;
	[tilespmem:$0x1A400] =	vst v63  }
0x4a: {  	_ =	swait.ge [sflag:s30], $0x2000  }
0x4b: {  	[sflag:s30] =	ssyncset.done $0x0  }
0x4c: {  	s4 =	sadd.s32 $0xFFFFE000, s6;
	[sflag:s30] =	ssyncadd.s32 $0xFFFFE000  }
0x4d: {  	[hbm4b:s4+s29] =	stream.strided.scatter [tilespmem:s10], [sflag:$0x6], $0x2000, s8, s29, $0x38;
	[tilespmem:$0x1A400] =	vst v63  }
0x4e: {  	_ =	swait.ge [sflag:s31], $0x2000  }
0x4f: {  	[sflag:s31] =	ssyncset.done $0x0  }
0x50: {  	s4 =	sadd.s32 $0xFFFFE7F8, s6;
	[sflag:s31] =	ssyncadd.s32 $0xFFFFE000  }
0x51: {  	[hbm4b:s4+s29] =	stream.strided.scatter [tilespmem:s12], [sflag:$0x2], $0x2000, s8, s29, $0x38;
	[tilespmem:$0x1A400] =	vst v63  }
0x52: {  	_ =	swait.ge [sflag:s0], $0x2000  }
0x53: {  	[sflag:s0] =	ssyncset.done $0x0  }
0x54: {  	s4 =	sadd.s32 $0xFFFFE800, s6;
	[sflag:s0] =	ssyncadd.s32 $0xFFFFE000  }
0x55: {  	[hbm4b:s4+s29] =	stream.strided.scatter [tilespmem:s14], [sflag:$0x7], $0x2000, s8, s29, $0x38;
	[tilespmem:$0x1A400] =	vst v63  }
0x56: {  	_ =	swait.ge [sflag:s1], $0x2000  }
0x57: {  	[sflag:s1] =	ssyncset.done $0x0  }
0x58: {  	s4 =	sadd.s32 $0xFFFFEFF8, s6;
	[sflag:s1] =	ssyncadd.s32 $0xFFFFE000  }
0x59: {  	[hbm4b:s4+s29] =	stream.strided.scatter [tilespmem:s16], [sflag:$0x3], $0x2000, s8, s29, $0x38;
	[tilespmem:$0x1A400] =	vst v63  }
0x5a: {  	_ =	swait.ge [sflag:s11], $0x2000  }
0x5b: {  	[sflag:s11] =	ssyncset.done $0x0  }
0x5c: {  	s4 =	sadd.s32 $0xFFFFF000, s6;
	[sflag:s11] =	ssyncadd.s32 $0xFFFFE000  }
0x5d: {  	[hbm4b:s4+s29] =	stream.strided.scatter [tilespmem:s18], [sflag:$0x8], $0x2000, s8, s29, $0x38;
	[tilespmem:$0x1A400] =	vst v63  }
0x5e: {  	_ =	swait.ge [sflag:s13], $0x2000  }
0x5f: {  	[sflag:s13] =	ssyncset.done $0x0  }
0x60: {  	s4 =	sadd.s32 $0xFFFFF7F8, s6;
	[sflag:s13] =	ssyncadd.s32 $0xFFFFE000  }
0x61: {  	[hbm4b:s4+s29] =	stream.strided.scatter [tilespmem:s20], [sflag:$0x4], $0x2000, s8, s29, $0x38;
	[tilespmem:$0x1A400] =	vst v63  }
0x62: {  	_ =	swait.ge [sflag:s15], $0x2000  }
0x63: {  	[sflag:s15] =	ssyncset.done $0x0  }
0x64: {  	s4 =	sadd.s32 $0xFFFFF800, s6;
	[sflag:s15] =	ssyncadd.s32 $0xFFFFE000  }
0x65: {  	[hbm4b:s4+s29] =	stream.strided.scatter [tilespmem:s22], [sflag:$0x9], $0x2000, s8, s29, $0x38;
	[tilespmem:$0x1A400] =	vst v63  }
0x66: {  	_ =	swait.ge [sflag:s17], $0x2000  }
0x67: {  	[sflag:s17] =	ssyncset.done $0x0  }
0x68: {  	s4 =	sadd.s32 $0xFFFFFFF8, s6;
	[sflag:s17] =	ssyncadd.s32 $0xFFFFE000  }
0x69: {  	[hbm4b:s4+s29] =	stream.strided.scatter [tilespmem:s24], [sflag:$0x5], $0x2000, s8, s29, $0x38;
	[tilespmem:$0x1A400] =	vst v63  }
0x6a: {  	_ =	swait.ge [sflag:s19], $0x2000  }
0x6b: {  	p0 =	seq.s32 s25, $0x17C00;
	[sflag:s19] =	ssyncset.done $0x0  }
.Ltmp2:
0x6c: {  	[sflag:s19] =	ssyncadd.s32 $0xFFFFE000;
	(pc) =	sbr.rel @p0 .LBB2_4-.Ltmp2, $4  }
0x6d: {  	[hbm4b:s6+s29] =	stream.strided.scatter [tilespmem:s26], [sflag:$0xA], $0x2000, s8, s29, $0x38;
	[tilespmem:$0x1A400] =	vst v63  }
0x6e: {  	_ =	swait.ge [sflag:s28], $0x2000  }
0x6f: {  	[sflag:s28] =	ssyncset.done $0x0  }
0x70: {  	[sflag:s28] =	ssyncadd.s32 $0xFFFFE000  }
0x71: {  	s2 =	sshra.s32 s25, $0x2  }
0x72: {  	s4 =	sadd.s32 $0x500, s2  }
0x73: {  	[tilespmem:s9], [sflag:$0x1] =	stream.indirect.gather [hbm4b:s3+s8], $0x40, s4, s8, $0xb8;
	[tilespmem:$0x1A400] =	vst v63  }
0x74: {  	_ =	swait.ge [sflag:s30], $0x2000  }
0x75: {  	[sflag:s30] =	ssyncset.done $0x0  }
0x76: {  	s4 =	sadd.s32 $0x580, s2;
	[sflag:s30] =	ssyncadd.s32 $0xFFFFE000  }
0x77: {  	[tilespmem:s10], [sflag:$0x6] =	stream.indirect.gather [hbm4b:s3+s8], $0x40, s4, s8, $0xb8;
	[tilespmem:$0x1A400] =	vst v63  }
0x78: {  	_ =	swait.ge [sflag:s31], $0x2000  }
0x79: {  	[sflag:s31] =	ssyncset.done $0x0  }
0x7a: {  	s4 =	sadd.s32 $0x600, s2;
	[sflag:s31] =	ssyncadd.s32 $0xFFFFE000  }
0x7b: {  	[tilespmem:s12], [sflag:$0x2] =	stream.indirect.gather [hbm4b:s3+s8], $0x40, s4, s8, $0xb8;
	[tilespmem:$0x1A400] =	vst v63  }
0x7c: {  	_ =	swait.ge [sflag:s0], $0x2000  }
0x7d: {  	[sflag:s0] =	ssyncset.done $0x0  }
0x7e: {  	s4 =	sadd.s32 $0x680, s2;
	[sflag:s0] =	ssyncadd.s32 $0xFFFFE000  }
0x7f: {  	[tilespmem:s14], [sflag:$0x7] =	stream.indirect.gather [hbm4b:s3+s8], $0x40, s4, s8, $0xb8;
	[tilespmem:$0x1A400] =	vst v63  }
0x80: {  	_ =	swait.ge [sflag:s1], $0x2000  }
0x81: {  	[sflag:s1] =	ssyncset.done $0x0  }
0x82: {  	s4 =	sadd.s32 $0x700, s2;
	[sflag:s1] =	ssyncadd.s32 $0xFFFFE000  }
0x83: {  	[tilespmem:s16], [sflag:$0x3] =	stream.indirect.gather [hbm4b:s3+s8], $0x40, s4, s8, $0xb8;
	[tilespmem:$0x1A400] =	vst v63  }
0x84: {  	_ =	swait.ge [sflag:s11], $0x2000  }
0x85: {  	[sflag:s11] =	ssyncset.done $0x0  }
0x86: {  	s4 =	sadd.s32 $0x780, s2;
	[sflag:s11] =	ssyncadd.s32 $0xFFFFE000  }
0x87: {  	[tilespmem:s18], [sflag:$0x8] =	stream.indirect.gather [hbm4b:s3+s8], $0x40, s4, s8, $0xb8;
	[tilespmem:$0x1A400] =	vst v63  }
0x88: {  	_ =	swait.ge [sflag:s13], $0x2000  }
0x89: {  	[sflag:s13] =	ssyncset.done $0x0  }
0x8a: {  	s4 =	sadd.s32 $0x800, s2;
	[sflag:s13] =	ssyncadd.s32 $0xFFFFE000  }
0x8b: {  	[tilespmem:s20], [sflag:$0x4] =	stream.indirect.gather [hbm4b:s3+s8], $0x40, s4, s8, $0xb8;
	[tilespmem:$0x1A400] =	vst v63  }
0x8c: {  	_ =	swait.ge [sflag:s15], $0x2000  }
0x8d: {  	[sflag:s15] =	ssyncset.done $0x0  }
0x8e: {  	s4 =	sadd.s32 $0x880, s2;
	[sflag:s15] =	ssyncadd.s32 $0xFFFFE000  }
0x8f: {  	[tilespmem:s22], [sflag:$0x9] =	stream.indirect.gather [hbm4b:s3+s8], $0x40, s4, s8, $0xb8;
	[tilespmem:$0x1A400] =	vst v63  }
0x90: {  	_ =	swait.ge [sflag:s17], $0x2000  }
0x91: {  	[sflag:s17] =	ssyncset.done $0x0  }
0x92: {  	s4 =	sadd.s32 $0x900, s2;
	[sflag:s17] =	ssyncadd.s32 $0xFFFFE000  }
0x93: {  	[tilespmem:s24], [sflag:$0x5] =	stream.indirect.gather [hbm4b:s3+s8], $0x40, s4, s8, $0xb8;
	[tilespmem:$0x1A400] =	vst v63  }
.Ltmp3:
0x94: {  	_ = 	snop;
	(pc) =	sbr.rel .LBB2_2-.Ltmp3, $4  }
0x95: {  	_ =	swait.ge [sflag:s19], $0x2000  }
0x96: {  	s25 =	sadd.s32 $0x1400, s25;
	[sflag:s19] =	ssyncset.done $0x0  }
0x97: {  	s6 =	sadd.s32 $0x2800, s6;
	s2 =	sadd.s32 $0x980, s2;
	[sflag:s19] =	ssyncadd.s32 $0xFFFFE000  }
0x98: {  	[tilespmem:s26], [sflag:$0xA] =	stream.indirect.gather [hbm4b:s3+s8], $0x40, s2, s8, $0xb8;
	[tilespmem:$0x1A400] =	vst v63  }
.LBB2_5:
0x99: {  	_ =	sfence.sel $0x180000  }
0x9a: {  	[bflag:$0x0] =	sbarrier.arrive $0xFFFF  }
0x9b: {  	_ =	strace $0x90000047  }
0x9c: {  	s0 =	stileid.u32;
	[bflag:$0x2] =	sbarrier.arrive $0xFFFF  }
0x9d: {  	p0 =	sne.s32 s0, $0x0;
	s0 =	rddreg [dreg:$0x2]  }
0x9e: {  	s0 =	sadd.s32 @!p0 $0x100000, s0  }
0x9f: {  	[sflag:s0] =	ssyncadd.tile.s32 @!p0 $0x1;
	_ =	shalt  }
.Lfunc_end2:
_tile_overlayer_lowered:
.L_overlay_start_2:
0xa0: {  	(tag) =	ssettag $0x2  }
0xa1: {  	s0 =	rddreg [dreg:$0x0];
	s2 =	stileid.u32  }
0xa2: {  	s1 =	rddreg [dreg:$0x1];
	p0 =	sne.s32 s2, $0x0  }
0xa3: {  	s3 =	rddreg [dreg:$0x2];
	[bflag:$0x3] =	sbarrier.arrive $0xFFFF;
	s2 =	simm.s32 @!p0 $0x1C0B  }
0xa4: {  	[timem:s3], [sflag:s2] =	dma.local @!p0 [hbm:s0], s1  }
0xa5: {  	s0 =	simm.s32 @!p0 $0xB  }
0xa6: {  	_ =	swait.ge @!p0 [sflag:s0], s1  }
0xa7: {  	s1 =	ssub.s32 @!p0 $0x0, s1;
	[sflag:s0] =	ssyncset.done @!p0 $0x0  }
0xa8: {  	[sflag:s0] =	ssyncadd.s32 @!p0 s1  }
0xa9: {  	[bflag:$0x3] =	sbarrier.arrive $0xFFFF  }
0xaa: {  	_ =	shalt  }

</sc_bundles>
